<compile_context>
chip_gen: v7x
topology: tpu7x:2x2x1
jax: 0.10.2.dev20260603
libtpu: 0.0.44.dev20260713+nightly
codegen_flags: <defaults>
</compile_context>

<pallas_src>
import functools

import jax
import jax.numpy as jnp
from jax import lax
from jax.experimental import pallas as pl
from jax.experimental.pallas import tpu as pltpu
from jax.experimental.pallas import tpu_sc as plsc

N = 10000
E = 160000
D = 256
HALF = 128
NS = 16
EPT = E // NS
B = 128
NB = (EPT + B - 1) // B
EPAD = NB * B
NP = 10112
RPT = NP // NS

_f32 = jnp.float32


def _mesh():
    return plsc.VectorSubcoreMesh(core_axis_name="c", subcore_axis_name="s")


def _sc_degree(dstp, zeros128, ones128):
    HB = NB // 2

    @functools.partial(
        pl.kernel,
        out_type=jax.ShapeDtypeStruct((2, NP, HALF), _f32),
        mesh=_mesh(),
        scratch_types=[
            pltpu.VMEM((NB, 1, B), jnp.int32),
            pltpu.VMEM((B, HALF), _f32),
            pltpu.VMEM_SHARED((NP, HALF), _f32),
        ],
    )
    def k(dp, z, o, out, dstv, onesv, deg):
        c = lax.axis_index("c")
        s = lax.axis_index("s")
        pltpu.sync_copy(dp.at[s], dstv)
        pltpu.sync_copy(o, onesv)
        pltpu.sync_copy(z.at[pl.ds(s * RPT, RPT)],
                        deg.at[pl.ds(s * RPT, RPT)])
        plsc.subcore_barrier()

        def blk(j, carry):
            pltpu.sync_copy(onesv, deg.at[dstv.at[j, 0]], add=True)
            return carry

        lax.fori_loop(0, NB, blk, 0)
        plsc.subcore_barrier()
        pltpu.sync_copy(deg.at[pl.ds(s * RPT, RPT)],
                        out.at[c].at[pl.ds(s * RPT, RPT)])

    return k(dstp, zeros128, ones128)


def _sc_scatter(g_lo, g_hi, srcp, dstp):
    @functools.partial(
        pl.kernel,
        out_type=(jax.ShapeDtypeStruct((NP, HALF), _f32),
                  jax.ShapeDtypeStruct((NP, HALF), _f32)),
        mesh=_mesh(),
        scratch_types=[
            pltpu.VMEM((NB, 1, B), jnp.int32),
            pltpu.VMEM((NB, 1, B), jnp.int32),
            pltpu.VMEM((B, HALF), _f32),
            pltpu.VMEM_SHARED((NP, HALF), _f32),
            pltpu.SemaphoreType.DMA,
        ],
    )
    def k(glo, ghi, sp, dp, olo, ohi, srcv, dstv, rows, acc, sem):
        c = lax.axis_index("c")
        s = lax.axis_index("s")
        pltpu.sync_copy(sp.at[s], srcv)
        pltpu.sync_copy(dp.at[s], dstv)

        def body(gref, oref):
            pltpu.sync_copy(gref.at[pl.ds(s * RPT, RPT)],
                            acc.at[pl.ds(s * RPT, RPT)])
            plsc.subcore_barrier()

            def blk(j, carry):
                pltpu.async_copy(gref.at[srcv.at[j, 0]], rows, sem).wait()
                pltpu.sync_copy(rows, acc.at[dstv.at[j, 0]], add=True)
                return carry

            lax.fori_loop(0, NB, blk, 0)
            plsc.subcore_barrier()
            pltpu.sync_copy(acc.at[pl.ds(s * RPT, RPT)],
                            oref.at[pl.ds(s * RPT, RPT)])

        @pl.when(c == 0)
        def _():
            body(glo, olo)

        @pl.when(c == 1)
        def _():
            body(ghi, ohi)

    return k(g_lo, g_hi, srcp, dstp)


_BM = 1264


def _leaky(v):
    return jnp.where(v > 0, v, 0.01 * v)


def _dinv(deg_ref):
    return lax.rsqrt(0.5 * (deg_ref[0, :, 0:1] + deg_ref[1, :, 0:1]) + 1.0)


def _deg_spec():
    return pl.BlockSpec((2, _BM, HALF), lambda i: (0, i, 0))


def _tc1_body(x_ref, winT_ref, bin_ref, w1T_ref, deg_ref, glo_ref, ghi_ref):
    h0 = jnp.dot(x_ref[...], winT_ref[...], preferred_element_type=_f32,
                 precision=lax.Precision.HIGHEST)
    h0 = _leaky(h0 + bin_ref[...])
    dinv = _dinv(deg_ref)
    g = dinv * jnp.dot(h0, w1T_ref[...], preferred_element_type=_f32,
                          precision=lax.Precision.HIGHEST)
    glo_ref[...] = g[:, :HALF]
    ghi_ref[...] = g[:, HALF:]


def _tc_mid_body(lo_ref, hi_ref, deg_ref, b_ref, wT_ref, glo_ref, ghi_ref):
    acc = jnp.concatenate([lo_ref[...], hi_ref[...]], axis=1)
    dinv = _dinv(deg_ref)
    h = _leaky(dinv * acc + b_ref[...])
    g = dinv * jnp.dot(h, wT_ref[...], preferred_element_type=_f32,
                          precision=lax.Precision.HIGHEST)
    glo_ref[...] = g[:, :HALF]
    ghi_ref[...] = g[:, HALF:]


def _tc3_body(lo_ref, hi_ref, deg_ref, b_ref, wout_ref, bout_ref, out_ref):
    acc = jnp.concatenate([lo_ref[...], hi_ref[...]], axis=1)
    dinv = _dinv(deg_ref)
    h = _leaky(dinv * acc + b_ref[...])
    out_ref[...] = (jnp.sum(h * wout_ref[...], axis=1, keepdims=True)
                    + bout_ref[...])


def _row_spec(w):
    return pl.BlockSpec((_BM, w), lambda i: (i, 0))


def _full_spec(h, w):
    return pl.BlockSpec((h, w), lambda i: (0, 0))


def _tc1(x, winT, b_in, w1T, deg):
    return pl.pallas_call(
        _tc1_body,
        grid=(NP // _BM,),
        in_specs=[_row_spec(D), _full_spec(D, D), _full_spec(1, D),
                  _full_spec(D, D), _deg_spec()],
        out_specs=[_row_spec(HALF), _row_spec(HALF)],
        out_shape=[jax.ShapeDtypeStruct((NP, HALF), _f32)] * 2,
    )(x, winT, b_in, w1T, deg)


def _tc_mid(lo, hi, deg, b, wT):
    return pl.pallas_call(
        _tc_mid_body,
        grid=(NP // _BM,),
        in_specs=[_row_spec(HALF), _row_spec(HALF), _deg_spec(),
                  _full_spec(1, D), _full_spec(D, D)],
        out_specs=[_row_spec(HALF), _row_spec(HALF)],
        out_shape=[jax.ShapeDtypeStruct((NP, HALF), _f32)] * 2,
    )(lo, hi, deg, b, wT)


def _tc3(lo, hi, deg, b, wout, bout):
    return pl.pallas_call(
        _tc3_body,
        grid=(NP // _BM,),
        in_specs=[_row_spec(HALF), _row_spec(HALF), _deg_spec(),
                  _full_spec(1, D), _full_spec(1, D), _full_spec(1, 1)],
        out_specs=pl.BlockSpec((_BM, 1), lambda i: (i, 0)),
        out_shape=jax.ShapeDtypeStruct((NP, 1), _f32),
    )(lo, hi, deg, b, wout, bout)


def kernel(x, edge_index, W_in, b_in, W1, b1, W2, b2, W_out, b_out):
    src = edge_index[0].astype(jnp.int32)
    dst = edge_index[1].astype(jnp.int32)
    srcp = jnp.pad(src.reshape(NS, EPT), ((0, 0), (0, EPAD - EPT)),
                   constant_values=0).reshape(NS, NB, 1, B)
    dstp = jnp.pad(dst.reshape(NS, EPT), ((0, 0), (0, EPAD - EPT)),
                   constant_values=N).reshape(NS, NB, 1, B)

    deg = _sc_degree(dstp, jnp.zeros((NP, HALF), _f32),
                     jnp.ones((B, HALF), _f32))

    winT = W_in.T
    w1T = W1.T
    w2T = W2.T
    b_in2 = b_in.reshape(1, D)
    b12 = b1.reshape(1, D)
    b22 = b2.reshape(1, D)
    wout2 = W_out.reshape(1, D)
    bout2 = b_out.reshape(1, 1)

    xp = jnp.pad(x, ((0, NP - N), (0, 0)))
    g1lo, g1hi = _tc1(xp, winT, b_in2, w1T, deg)
    a1lo, a1hi = _sc_scatter(g1lo, g1hi, srcp, dstp)
    g2lo, g2hi = _tc_mid(a1lo, a1hi, deg, b12, w2T)
    a2lo, a2hi = _sc_scatter(g2lo, g2hi, srcp, dstp)
    return _tc3(a2lo, a2hi, deg, b22, wout2, bout2)[:N]

# --- scband reference (transcript-rebuilt; emitter-appended) ---
"""Pipeline reference for scband-gnn-52948356825847 (READ-ONLY COPY).

The authoritative reference and input builder live on the scoring server;
editing this copy changes nothing except your own understanding.
"""

import jax, jax.numpy as jnp
import numpy as np

N = 10000
E = 160000
D = 256
H = 256


def _kaiming(key, shape):
    fan_in = shape[1]
    return jax.random.normal(key, shape, dtype=jnp.float32) * np.sqrt(2.0 / fan_in)


def setup_inputs(seed: int = 0) -> dict:
    key = jax.random.key(seed)
    ks = jax.random.split(key, 8)
    x = jax.random.normal(ks[0], (N, D), dtype=jnp.float32)
    edge_index = jax.random.randint(ks[1], (2, E), 0, N).astype(jnp.int64)
    # Linear weights stored torch-style [out, in]; biases zero-initialized per init_weights()
    W_in = _kaiming(ks[2], (H, D))
    b_in = jnp.zeros((H,), dtype=jnp.float32)
    W1 = _kaiming(ks[3], (H, H))
    b1 = jnp.zeros((H,), dtype=jnp.float32)
    W2 = _kaiming(ks[4], (H, H))
    b2 = jnp.zeros((H,), dtype=jnp.float32)
    W_out = _kaiming(ks[5], (1, H))
    b_out = jnp.zeros((1,), dtype=jnp.float32)
    return {"x": x, "edge_index": edge_index, "W_in": W_in, "b_in": b_in,
            "W1": W1, "b1": b1, "W2": W2, "b2": b2, "W_out": W_out, "b_out": b_out}


def _gcn_conv(h, src, dst, W, b):
    # PyG GCNConv: x @ W^T, add self-loops, symmetric normalization, scatter-add, + bias
    hw = h @ W.T
    loop = jnp.arange(N, dtype=src.dtype)
    s = jnp.concatenate([src, loop])
    d = jnp.concatenate([dst, loop])
    deg = jnp.zeros((N,), dtype=hw.dtype).at[d].add(1.0)
    dinv = jnp.where(deg > 0, deg ** -0.5, 0.0)
    norm = dinv[s] * dinv[d]
    msg = hw[s] * norm[:, None]
    out = jnp.zeros((N, hw.shape[1]), dtype=hw.dtype).at[d].add(msg)
    return out + b


def reference(x, edge_index, W_in, b_in, W1, b1, W2, b2, W_out, b_out):
    # Eval-mode forward (Dropout = identity)
    src = edge_index[0]
    dst = edge_index[1]
    h = jax.nn.leaky_relu(x @ W_in.T + b_in, negative_slope=0.01)
    h = _gcn_conv(h, src, dst, W1, b1)
    h = jax.nn.leaky_relu(h, negative_slope=0.01)
    h = _gcn_conv(h, src, dst, W2, b2)
    h = jax.nn.leaky_relu(h, negative_slope=0.01)
    out = h @ W_out.T + b_out
    return out

if __name__ == "__main__":
    import jax
    _d = setup_inputs()
    print(jax.jit(kernel)(*tuple(_d.values())))

</pallas_src>

<mosaic_0001>
#map = affine_map<(d0, d1) -> (0, 0, 0, 0)>
#map1 = affine_map<(d0, d1) -> (0, 0)>
#map2 = affine_map<(d0, d1) -> (0, 0, 0)>
module attributes {stable_mosaic.version = 14 : i64} {
  func.func @k(%arg0: i32, %arg1: i32, %arg2: memref<16x79x1x128xi32, #tpu.memory_space<hbm>>, %arg3: memref<10112x128xf32, #tpu.memory_space<hbm>>, %arg4: memref<128x128xf32, #tpu.memory_space<hbm>>, %arg5: memref<2x10112x128xf32, #tpu.memory_space<hbm>>, %arg6: memref<79x1x128xi32, #tpu.memory_space<vmem>>, %arg7: memref<128x128xf32, #tpu.memory_space<vmem>>, %arg8: memref<10112x128xf32, #tpu.memory_space<vmem_shared>>) attributes {dimension_semantics = [#tpu.dimension_semantics<core_parallel>, #tpu.dimension_semantics<subcore_parallel>], iteration_bounds = array<i64: 2, 16>, scalar_prefetch = 0 : i64, scratch_operands = 3 : i64, tpu.core_type = #tpu.core_type<sc_vector_subcore>, window_params = [{transform_indices = #map}, {transform_indices = #map1}, {transform_indices = #map1}, {transform_indices = #map2}]} {
    "tpu.region"() ({
      %run_scoped3A = tpu.sem_alloc : memref<!tpu.dma_semaphore, #tpu.memory_space<semaphore_mem>>
      %dma_start3A = arith.constant 0 : i32
      %dma_start3A_13 = arith.constant 0 : i32
      %dma_start3A_14 = arith.constant 0 : i32
      %dma_start3A_15 = tpu.memref_slice %arg2[%arg1, %dma_start3A, %dma_start3A_13, %dma_start3A_14] : memref<16x79x1x128xi32, #tpu.memory_space<hbm>> -> memref<1x79x1x128xi32, #tpu.memory_space<hbm>>
      %dma_start3A_16 = tpu.memref_squeeze %dma_start3A_15 : memref<1x79x1x128xi32, #tpu.memory_space<hbm>> -> memref<79x1x128xi32, #tpu.memory_space<hbm>>
      %dma_start3A_17 = arith.constant 0 : i32
      %dma_start3A_18 = arith.constant 0 : i32
      %dma_start3A_19 = arith.constant 0 : i32
      %dma_start3A_20 = tpu.memref_slice %arg2[%arg1, %dma_start3A_17, %dma_start3A_18, %dma_start3A_19] : memref<16x79x1x128xi32, #tpu.memory_space<hbm>> -> memref<1x79x1x128xi32, #tpu.memory_space<hbm>>
      %dma_start3A_21 = tpu.memref_squeeze %dma_start3A_20 : memref<1x79x1x128xi32, #tpu.memory_space<hbm>> -> memref<79x1x128xi32, #tpu.memory_space<hbm>>
      tpu.enqueue_dma source(%dma_start3A_21 : memref<79x1x128xi32, #tpu.memory_space<hbm>>) target(%arg6 : memref<79x1x128xi32, #tpu.memory_space<vmem>>) target_semaphore(%run_scoped3A : memref<!tpu.dma_semaphore, #tpu.memory_space<semaphore_mem>>)
      %dma_wait3A = arith.constant 0 : i32
      %dma_wait3A_22 = arith.constant 0 : i32
      %dma_wait3A_23 = arith.constant 0 : i32
      %dma_wait3A_24 = tpu.memref_slice %arg2[%arg1, %dma_wait3A, %dma_wait3A_22, %dma_wait3A_23] : memref<16x79x1x128xi32, #tpu.memory_space<hbm>> -> memref<1x79x1x128xi32, #tpu.memory_space<hbm>>
      %dma_wait3A_25 = tpu.memref_squeeze %dma_wait3A_24 : memref<1x79x1x128xi32, #tpu.memory_space<hbm>> -> memref<79x1x128xi32, #tpu.memory_space<hbm>>
      %dma_wait3A_26 = arith.constant 0 : i32
      %dma_wait3A_27 = arith.constant 0 : i32
      %dma_wait3A_28 = arith.constant 0 : i32
      %dma_wait3A_29 = tpu.memref_slice %arg2[%arg1, %dma_wait3A_26, %dma_wait3A_27, %dma_wait3A_28] : memref<16x79x1x128xi32, #tpu.memory_space<hbm>> -> memref<1x79x1x128xi32, #tpu.memory_space<hbm>>
      %dma_wait3A_30 = tpu.memref_squeeze %dma_wait3A_29 : memref<1x79x1x128xi32, #tpu.memory_space<hbm>> -> memref<79x1x128xi32, #tpu.memory_space<hbm>>
      tpu.wait_dma2 semaphore(%run_scoped3A : memref<!tpu.dma_semaphore, #tpu.memory_space<semaphore_mem>>) src(%dma_wait3A_30 : memref<79x1x128xi32, #tpu.memory_space<hbm>>) dst(%arg6 : memref<79x1x128xi32, #tpu.memory_space<vmem>>)
      tpu.yield
    }) : () -> ()
    "tpu.region"() ({
      %run_scoped3A = tpu.sem_alloc : memref<!tpu.dma_semaphore, #tpu.memory_space<semaphore_mem>>
      tpu.enqueue_dma source(%arg4 : memref<128x128xf32, #tpu.memory_space<hbm>>) target(%arg7 : memref<128x128xf32, #tpu.memory_space<vmem>>) target_semaphore(%run_scoped3A : memref<!tpu.dma_semaphore, #tpu.memory_space<semaphore_mem>>)
      tpu.wait_dma2 semaphore(%run_scoped3A : memref<!tpu.dma_semaphore, #tpu.memory_space<semaphore_mem>>) src(%arg4 : memref<128x128xf32, #tpu.memory_space<hbm>>) dst(%arg7 : memref<128x128xf32, #tpu.memory_space<vmem>>)
      tpu.yield
    }) : () -> ()
    %mul3A = arith.constant 632 : i32
    %mul3A_0 = arith.muli %arg1, %mul3A : i32
    %mul3A_1 = arith.constant 632 : i32
    %mul3A_2 = arith.muli %arg1, %mul3A_1 : i32
    "tpu.region"() ({
      %run_scoped3A = tpu.sem_alloc : memref<!tpu.dma_semaphore, #tpu.memory_space<semaphore_mem>>
      %dma_start3A = arith.constant 0 : i32
      %dma_start3A_13 = tpu.memref_slice %arg8[%mul3A_2, %dma_start3A] : memref<10112x128xf32, #tpu.memory_space<vmem_shared>> -> memref<632x128xf32, #tpu.memory_space<vmem_shared>>
      %dma_start3A_14 = arith.constant 0 : i32
      %dma_start3A_15 = tpu.memref_slice %arg3[%mul3A_0, %dma_start3A_14] : memref<10112x128xf32, #tpu.memory_space<hbm>> -> memref<632x128xf32, #tpu.memory_space<hbm>>
      tpu.enqueue_dma source(%dma_start3A_15 : memref<632x128xf32, #tpu.memory_space<hbm>>) target(%dma_start3A_13 : memref<632x128xf32, #tpu.memory_space<vmem_shared>>) target_semaphore(%run_scoped3A : memref<!tpu.dma_semaphore, #tpu.memory_space<semaphore_mem>>)
      %dma_wait3A = arith.constant 0 : i32
      %dma_wait3A_16 = tpu.memref_slice %arg8[%mul3A_2, %dma_wait3A] : memref<10112x128xf32, #tpu.memory_space<vmem_shared>> -> memref<632x128xf32, #tpu.memory_space<vmem_shared>>
      %dma_wait3A_17 = arith.constant 0 : i32
      %dma_wait3A_18 = tpu.memref_slice %arg3[%mul3A_0, %dma_wait3A_17] : memref<10112x128xf32, #tpu.memory_space<hbm>> -> memref<632x128xf32, #tpu.memory_space<hbm>>
      tpu.wait_dma2 semaphore(%run_scoped3A : memref<!tpu.dma_semaphore, #tpu.memory_space<semaphore_mem>>) src(%dma_wait3A_18 : memref<632x128xf32, #tpu.memory_space<hbm>>) dst(%dma_wait3A_16 : memref<632x128xf32, #tpu.memory_space<vmem_shared>>)
      tpu.yield
    }) : () -> ()
    %barrier3A = arith.constant 0 : index
    tpu.barrier barrier_id(%barrier3A)
    %scan3A = arith.constant 0 : i32
    %scan3A_3 = arith.constant 0 : i32
    %scan3A_4 = arith.constant 79 : i32
    %scan3A_5 = arith.addi %scan3A_3, %scan3A_4 : i32
    %scan3A_6 = arith.constant 1 : i32
    scf.for %scan3A_13 = %scan3A_3 to %scan3A_5 step %scan3A_6  : i32 {
      %run_scoped3A = arith.constant 0 : i32
      "tpu.region"() ({
        %run_scoped3A_14 = tpu.sem_alloc : memref<!tpu.dma_semaphore, #tpu.memory_space<semaphore_mem>>
        %dma_start3A = arith.constant 0 : i32
        %dma_start3A_15 = tpu.memref_slice %arg6[%scan3A_13, %run_scoped3A, %dma_start3A] : memref<79x1x128xi32, #tpu.memory_space<vmem>> -> memref<1x1x128xi32, #tpu.memory_space<vmem>>
        %dma_start3A_16 = tpu.memref_squeeze %dma_start3A_15 : memref<1x1x128xi32, #tpu.memory_space<vmem>> -> memref<128xi32, #tpu.memory_space<vmem>>
        %dma_start3A_17 = arith.constant 0 : i32
        %dma_start3A_18 = arith.constant 0 : i32
        %dma_start3A_19 = tpu.memref_slice %arg8[%dma_start3A_17, %dma_start3A_18] : memref<10112x128xf32, #tpu.memory_space<vmem_shared>> -> memref<10112x128xf32, #tpu.memory_space<vmem_shared>>
        tpu.enqueue_indirect_dma source(%arg7 : memref<128x128xf32, #tpu.memory_space<vmem>>) target(%dma_start3A_19 : memref<10112x128xf32, #tpu.memory_space<vmem_shared>>) offsets(%dma_start3A_16 : memref<128xi32, #tpu.memory_space<vmem>>) semaphore(%run_scoped3A_14 : memref<!tpu.dma_semaphore, #tpu.memory_space<semaphore_mem>>) {add = true}
        %dma_wait3A = arith.constant 0 : i32
        %dma_wait3A_20 = tpu.memref_slice %arg6[%scan3A_13, %run_scoped3A, %dma_wait3A] : memref<79x1x128xi32, #tpu.memory_space<vmem>> -> memref<1x1x128xi32, #tpu.memory_space<vmem>>
        %dma_wait3A_21 = tpu.memref_squeeze %dma_wait3A_20 : memref<1x1x128xi32, #tpu.memory_space<vmem>> -> memref<128xi32, #tpu.memory_space<vmem>>
        %dma_wait3A_22 = arith.constant 0 : i32
        %dma_wait3A_23 = arith.constant 0 : i32
        %dma_wait3A_24 = tpu.memref_slice %arg8[%dma_wait3A_22, %dma_wait3A_23] : memref<10112x128xf32, #tpu.memory_space<vmem_shared>> -> memref<10112x128xf32, #tpu.memory_space<vmem_shared>>
        tpu.wait_indirect_dma semaphore(%run_scoped3A_14 : memref<!tpu.dma_semaphore, #tpu.memory_space<semaphore_mem>>) src(%arg7 : memref<128x128xf32, #tpu.memory_space<vmem>>) dst(%dma_wait3A_24 : memref<10112x128xf32, #tpu.memory_space<vmem_shared>>)
        tpu.yield
      }) : () -> ()
    }
    %scan3A_7 = arith.constant 79 : i32
    %barrier3A_8 = arith.constant 0 : index
    tpu.barrier barrier_id(%barrier3A_8)
    %mul3A_9 = arith.constant 632 : i32
    %mul3A_10 = arith.muli %arg1, %mul3A_9 : i32
    %mul3A_11 = arith.constant 632 : i32
    %mul3A_12 = arith.muli %arg1, %mul3A_11 : i32
    "tpu.region"() ({
      %run_scoped3A = tpu.sem_alloc : memref<!tpu.dma_semaphore, #tpu.memory_space<semaphore_mem>>
      %dma_start3A = arith.constant 0 : i32
      %dma_start3A_13 = arith.constant 0 : i32
      %dma_start3A_14 = tpu.memref_slice %arg5[%arg0, %dma_start3A, %dma_start3A_13] : memref<2x10112x128xf32, #tpu.memory_space<hbm>> -> memref<1x10112x128xf32, #tpu.memory_space<hbm>>
      %dma_start3A_15 = tpu.memref_squeeze %dma_start3A_14 : memref<1x10112x128xf32, #tpu.memory_space<hbm>> -> memref<10112x128xf32, #tpu.memory_space<hbm>>
      %dma_start3A_16 = arith.constant 0 : i32
      %dma_start3A_17 = tpu.memref_slice %dma_start3A_15[%mul3A_12, %dma_start3A_16] : memref<10112x128xf32, #tpu.memory_space<hbm>> -> memref<632x128xf32, #tpu.memory_space<hbm>>
      %dma_start3A_18 = arith.constant 0 : i32
      %dma_start3A_19 = tpu.memref_slice %arg8[%mul3A_10, %dma_start3A_18] : memref<10112x128xf32, #tpu.memory_space<vmem_shared>> -> memref<632x128xf32, #tpu.memory_space<vmem_shared>>
      tpu.enqueue_dma source(%dma_start3A_19 : memref<632x128xf32, #tpu.memory_space<vmem_shared>>) target(%dma_start3A_17 : memref<632x128xf32, #tpu.memory_space<hbm>>) target_semaphore(%run_scoped3A : memref<!tpu.dma_semaphore, #tpu.memory_space<semaphore_mem>>)
      %dma_wait3A = arith.constant 0 : i32
      %dma_wait3A_20 = arith.constant 0 : i32
      %dma_wait3A_21 = tpu.memref_slice %arg5[%arg0, %dma_wait3A, %dma_wait3A_20] : memref<2x10112x128xf32, #tpu.memory_space<hbm>> -> memref<1x10112x128xf32, #tpu.memory_space<hbm>>
      %dma_wait3A_22 = tpu.memref_squeeze %dma_wait3A_21 : memref<1x10112x128xf32, #tpu.memory_space<hbm>> -> memref<10112x128xf32, #tpu.memory_space<hbm>>
      %dma_wait3A_23 = arith.constant 0 : i32
      %dma_wait3A_24 = tpu.memref_slice %dma_wait3A_22[%mul3A_12, %dma_wait3A_23] : memref<10112x128xf32, #tpu.memory_space<hbm>> -> memref<632x128xf32, #tpu.memory_space<hbm>>
      %dma_wait3A_25 = arith.constant 0 : i32
      %dma_wait3A_26 = tpu.memref_slice %arg8[%mul3A_10, %dma_wait3A_25] : memref<10112x128xf32, #tpu.memory_space<vmem_shared>> -> memref<632x128xf32, #tpu.memory_space<vmem_shared>>
      tpu.wait_dma2 semaphore(%run_scoped3A : memref<!tpu.dma_semaphore, #tpu.memory_space<semaphore_mem>>) src(%dma_wait3A_26 : memref<632x128xf32, #tpu.memory_space<vmem_shared>>) dst(%dma_wait3A_24 : memref<632x128xf32, #tpu.memory_space<hbm>>)
      tpu.yield
    }) : () -> ()
    return
  }
}

#map = affine_map<(d0, d1) -> (0, 0)>
#map1 = affine_map<(d0, d1) -> (0, 0, 0, 0)>
module attributes {stable_mosaic.version = 14 : i64} {
  func.func @k(%arg0: i32, %arg1: i32, %arg2: memref<10112x128xf32, #tpu.memory_space<hbm>>, %arg3: memref<10112x128xf32, #tpu.memory_space<hbm>>, %arg4: memref<16x79x1x128xi32, #tpu.memory_space<hbm>>, %arg5: memref<16x79x1x128xi32, #tpu.memory_space<hbm>>, %arg6: memref<10112x128xf32, #tpu.memory_space<hbm>>, %arg7: memref<10112x128xf32, #tpu.memory_space<hbm>>, %arg8: memref<79x1x128xi32, #tpu.memory_space<vmem>>, %arg9: memref<79x1x128xi32, #tpu.memory_space<vmem>>, %arg10: memref<128x128xf32, #tpu.memory_space<vmem>>, %arg11: memref<10112x128xf32, #tpu.memory_space<vmem_shared>>, %arg12: memref<!tpu.dma_semaphore, #tpu.memory_space<semaphore_mem>>) attributes {dimension_semantics = [#tpu.dimension_semantics<core_parallel>, #tpu.dimension_semantics<subcore_parallel>], iteration_bounds = array<i64: 2, 16>, scalar_prefetch = 0 : i64, scratch_operands = 5 : i64, tpu.core_type = #tpu.core_type<sc_vector_subcore>, window_params = [{transform_indices = #map}, {transform_indices = #map}, {transform_indices = #map1}, {transform_indices = #map1}, {transform_indices = #map}, {transform_indices = #map}]} {
    "tpu.region"() ({
      %run_scoped3A = tpu.sem_alloc : memref<!tpu.dma_semaphore, #tpu.memory_space<semaphore_mem>>
      %dma_start3A = arith.constant 0 : i32
      %dma_start3A_7 = arith.constant 0 : i32
      %dma_start3A_8 = arith.constant 0 : i32
      %dma_start3A_9 = tpu.memref_slice %arg4[%arg1, %dma_start3A, %dma_start3A_7, %dma_start3A_8] : memref<16x79x1x128xi32, #tpu.memory_space<hbm>> -> memref<1x79x1x128xi32, #tpu.memory_space<hbm>>
      %dma_start3A_10 = tpu.memref_squeeze %dma_start3A_9 : memref<1x79x1x128xi32, #tpu.memory_space<hbm>> -> memref<79x1x128xi32, #tpu.memory_space<hbm>>
      %dma_start3A_11 = arith.constant 0 : i32
      %dma_start3A_12 = arith.constant 0 : i32
      %dma_start3A_13 = arith.constant 0 : i32
      %dma_start3A_14 = tpu.memref_slice %arg4[%arg1, %dma_start3A_11, %dma_start3A_12, %dma_start3A_13] : memref<16x79x1x128xi32, #tpu.memory_space<hbm>> -> memref<1x79x1x128xi32, #tpu.memory_space<hbm>>
      %dma_start3A_15 = tpu.memref_squeeze %dma_start3A_14 : memref<1x79x1x128xi32, #tpu.memory_space<hbm>> -> memref<79x1x128xi32, #tpu.memory_space<hbm>>
      tpu.enqueue_dma source(%dma_start3A_15 : memref<79x1x128xi32, #tpu.memory_space<hbm>>) target(%arg8 : memref<79x1x128xi32, #tpu.memory_space<vmem>>) target_semaphore(%run_scoped3A : memref<!tpu.dma_semaphore, #tpu.memory_space<semaphore_mem>>)
      %dma_wait3A = arith.constant 0 : i32
      %dma_wait3A_16 = arith.constant 0 : i32
      %dma_wait3A_17 = arith.constant 0 : i32
      %dma_wait3A_18 = tpu.memref_slice %arg4[%arg1, %dma_wait3A, %dma_wait3A_16, %dma_wait3A_17] : memref<16x79x1x128xi32, #tpu.memory_space<hbm>> -> memref<1x79x1x128xi32, #tpu.memory_space<hbm>>
      %dma_wait3A_19 = tpu.memref_squeeze %dma_wait3A_18 : memref<1x79x1x128xi32, #tpu.memory_space<hbm>> -> memref<79x1x128xi32, #tpu.memory_space<hbm>>
      %dma_wait3A_20 = arith.constant 0 : i32
      %dma_wait3A_21 = arith.constant 0 : i32
      %dma_wait3A_22 = arith.constant 0 : i32
      %dma_wait3A_23 = tpu.memref_slice %arg4[%arg1, %dma_wait3A_20, %dma_wait3A_21, %dma_wait3A_22] : memref<16x79x1x128xi32, #tpu.memory_space<hbm>> -> memref<1x79x1x128xi32, #tpu.memory_space<hbm>>
      %dma_wait3A_24 = tpu.memref_squeeze %dma_wait3A_23 : memref<1x79x1x128xi32, #tpu.memory_space<hbm>> -> memref<79x1x128xi32, #tpu.memory_space<hbm>>
      tpu.wait_dma2 semaphore(%run_scoped3A : memref<!tpu.dma_semaphore, #tpu.memory_space<semaphore_mem>>) src(%dma_wait3A_24 : memref<79x1x128xi32, #tpu.memory_space<hbm>>) dst(%arg8 : memref<79x1x128xi32, #tpu.memory_space<vmem>>)
      tpu.yield
    }) : () -> ()
    "tpu.region"() ({
      %run_scoped3A = tpu.sem_alloc : memref<!tpu.dma_semaphore, #tpu.memory_space<semaphore_mem>>
      %dma_start3A = arith.constant 0 : i32
      %dma_start3A_7 = arith.constant 0 : i32
      %dma_start3A_8 = arith.constant 0 : i32
      %dma_start3A_9 = tpu.memref_slice %arg5[%arg1, %dma_start3A, %dma_start3A_7, %dma_start3A_8] : memref<16x79x1x128xi32, #tpu.memory_space<hbm>> -> memref<1x79x1x128xi32, #tpu.memory_space<hbm>>
      %dma_start3A_10 = tpu.memref_squeeze %dma_start3A_9 : memref<1x79x1x128xi32, #tpu.memory_space<hbm>> -> memref<79x1x128xi32, #tpu.memory_space<hbm>>
      %dma_start3A_11 = arith.constant 0 : i32
      %dma_start3A_12 = arith.constant 0 : i32
      %dma_start3A_13 = arith.constant 0 : i32
      %dma_start3A_14 = tpu.memref_slice %arg5[%arg1, %dma_start3A_11, %dma_start3A_12, %dma_start3A_13] : memref<16x79x1x128xi32, #tpu.memory_space<hbm>> -> memref<1x79x1x128xi32, #tpu.memory_space<hbm>>
      %dma_start3A_15 = tpu.memref_squeeze %dma_start3A_14 : memref<1x79x1x128xi32, #tpu.memory_space<hbm>> -> memref<79x1x128xi32, #tpu.memory_space<hbm>>
      tpu.enqueue_dma source(%dma_start3A_15 : memref<79x1x128xi32, #tpu.memory_space<hbm>>) target(%arg9 : memref<79x1x128xi32, #tpu.memory_space<vmem>>) target_semaphore(%run_scoped3A : memref<!tpu.dma_semaphore, #tpu.memory_space<semaphore_mem>>)
      %dma_wait3A = arith.constant 0 : i32
      %dma_wait3A_16 = arith.constant 0 : i32
      %dma_wait3A_17 = arith.constant 0 : i32
      %dma_wait3A_18 = tpu.memref_slice %arg5[%arg1, %dma_wait3A, %dma_wait3A_16, %dma_wait3A_17] : memref<16x79x1x128xi32, #tpu.memory_space<hbm>> -> memref<1x79x1x128xi32, #tpu.memory_space<hbm>>
      %dma_wait3A_19 = tpu.memref_squeeze %dma_wait3A_18 : memref<1x79x1x128xi32, #tpu.memory_space<hbm>> -> memref<79x1x128xi32, #tpu.memory_space<hbm>>
      %dma_wait3A_20 = arith.constant 0 : i32
      %dma_wait3A_21 = arith.constant 0 : i32
      %dma_wait3A_22 = arith.constant 0 : i32
      %dma_wait3A_23 = tpu.memref_slice %arg5[%arg1, %dma_wait3A_20, %dma_wait3A_21, %dma_wait3A_22] : memref<16x79x1x128xi32, #tpu.memory_space<hbm>> -> memref<1x79x1x128xi32, #tpu.memory_space<hbm>>
      %dma_wait3A_24 = tpu.memref_squeeze %dma_wait3A_23 : memref<1x79x1x128xi32, #tpu.memory_space<hbm>> -> memref<79x1x128xi32, #tpu.memory_space<hbm>>
      tpu.wait_dma2 semaphore(%run_scoped3A : memref<!tpu.dma_semaphore, #tpu.memory_space<semaphore_mem>>) src(%dma_wait3A_24 : memref<79x1x128xi32, #tpu.memory_space<hbm>>) dst(%arg9 : memref<79x1x128xi32, #tpu.memory_space<vmem>>)
      tpu.yield
    }) : () -> ()
    %eq3A = arith.constant 0 : i32
    %eq3A_0 = arith.cmpi eq, %arg0, %eq3A : i32
    %convert_element_type3A = arith.extui %eq3A_0 : i1 to i32
    %cond3A = arith.constant 0 : i32
    %cond3A_1 = arith.cmpi ne, %convert_element_type3A, %cond3A : i32
    scf.if %cond3A_1 {
      %mul3A = arith.constant 632 : i32
      %mul3A_7 = arith.muli %arg1, %mul3A : i32
      %mul3A_8 = arith.constant 632 : i32
      %mul3A_9 = arith.muli %arg1, %mul3A_8 : i32
      "tpu.region"() ({
        %run_scoped3A = tpu.sem_alloc : memref<!tpu.dma_semaphore, #tpu.memory_space<semaphore_mem>>
        %dma_start3A = arith.constant 0 : i32
        %dma_start3A_20 = tpu.memref_slice %arg11[%mul3A_9, %dma_start3A] : memref<10112x128xf32, #tpu.memory_space<vmem_shared>> -> memref<632x128xf32, #tpu.memory_space<vmem_shared>>
        %dma_start3A_21 = arith.constant 0 : i32
        %dma_start3A_22 = tpu.memref_slice %arg2[%mul3A_7, %dma_start3A_21] : memref<10112x128xf32, #tpu.memory_space<hbm>> -> memref<632x128xf32, #tpu.memory_space<hbm>>
        tpu.enqueue_dma source(%dma_start3A_22 : memref<632x128xf32, #tpu.memory_space<hbm>>) target(%dma_start3A_20 : memref<632x128xf32, #tpu.memory_space<vmem_shared>>) target_semaphore(%run_scoped3A : memref<!tpu.dma_semaphore, #tpu.memory_space<semaphore_mem>>)
        %dma_wait3A = arith.constant 0 : i32
        %dma_wait3A_23 = tpu.memref_slice %arg11[%mul3A_9, %dma_wait3A] : memref<10112x128xf32, #tpu.memory_space<vmem_shared>> -> memref<632x128xf32, #tpu.memory_space<vmem_shared>>
        %dma_wait3A_24 = arith.constant 0 : i32
        %dma_wait3A_25 = tpu.memref_slice %arg2[%mul3A_7, %dma_wait3A_24] : memref<10112x128xf32, #tpu.memory_space<hbm>> -> memref<632x128xf32, #tpu.memory_space<hbm>>
        tpu.wait_dma2 semaphore(%run_scoped3A : memref<!tpu.dma_semaphore, #tpu.memory_space<semaphore_mem>>) src(%dma_wait3A_25 : memref<632x128xf32, #tpu.memory_space<hbm>>) dst(%dma_wait3A_23 : memref<632x128xf32, #tpu.memory_space<vmem_shared>>)
        tpu.yield
      }) : () -> ()
      %barrier3A = arith.constant 0 : index
      tpu.barrier barrier_id(%barrier3A)
      %scan3A = arith.constant 0 : i32
      %scan3A_10 = arith.constant 0 : i32
      %scan3A_11 = arith.constant 79 : i32
      %scan3A_12 = arith.addi %scan3A_10, %scan3A_11 : i32
      %scan3A_13 = arith.constant 1 : i32
      scf.for %scan3A_20 = %scan3A_10 to %scan3A_12 step %scan3A_13  : i32 {
        %dma_start3A = arith.constant 0 : i32
        %dma_start3A_21 = arith.constant 0 : i32
        %dma_start3A_22 = tpu.memref_slice %arg8[%scan3A_20, %dma_start3A, %dma_start3A_21] : memref<79x1x128xi32, #tpu.memory_space<vmem>> -> memref<1x1x128xi32, #tpu.memory_space<vmem>>
        %dma_start3A_23 = tpu.memref_squeeze %dma_start3A_22 : memref<1x1x128xi32, #tpu.memory_space<vmem>> -> memref<128xi32, #tpu.memory_space<vmem>>
        %dma_start3A_24 = arith.constant 0 : i32
        %dma_start3A_25 = arith.constant 0 : i32
        %dma_start3A_26 = tpu.memref_slice %arg2[%dma_start3A_24, %dma_start3A_25] : memref<10112x128xf32, #tpu.memory_space<hbm>> -> memref<10112x128xf32, #tpu.memory_space<hbm>>
        tpu.enqueue_indirect_dma source(%dma_start3A_26 : memref<10112x128xf32, #tpu.memory_space<hbm>>) target(%arg10 : memref<128x128xf32, #tpu.memory_space<vmem>>) offsets(%dma_start3A_23 : memref<128xi32, #tpu.memory_space<vmem>>) semaphore(%arg12 : memref<!tpu.dma_semaphore, #tpu.memory_space<semaphore_mem>>)
        %dma_wait3A = arith.constant 0 : i32
        %dma_wait3A_27 = arith.constant 0 : i32
        %dma_wait3A_28 = tpu.memref_slice %arg8[%scan3A_20, %dma_wait3A, %dma_wait3A_27] : memref<79x1x128xi32, #tpu.memory_space<vmem>> -> memref<1x1x128xi32, #tpu.memory_space<vmem>>
        %dma_wait3A_29 = tpu.memref_squeeze %dma_wait3A_28 : memref<1x1x128xi32, #tpu.memory_space<vmem>> -> memref<128xi32, #tpu.memory_space<vmem>>
        %dma_wait3A_30 = arith.constant 0 : i32
        %dma_wait3A_31 = arith.constant 0 : i32
        %dma_wait3A_32 = tpu.memref_slice %arg2[%dma_wait3A_30, %dma_wait3A_31] : memref<10112x128xf32, #tpu.memory_space<hbm>> -> memref<10112x128xf32, #tpu.memory_space<hbm>>
        tpu.wait_indirect_dma semaphore(%arg12 : memref<!tpu.dma_semaphore, #tpu.memory_space<semaphore_mem>>) src(%dma_wait3A_32 : memref<10112x128xf32, #tpu.memory_space<hbm>>) dst(%arg10 : memref<128x128xf32, #tpu.memory_space<vmem>>)
        %run_scoped3A = arith.constant 0 : i32
        "tpu.region"() ({
          %run_scoped3A_33 = tpu.sem_alloc : memref<!tpu.dma_semaphore, #tpu.memory_space<semaphore_mem>>
          %dma_start3A_34 = arith.constant 0 : i32
          %dma_start3A_35 = tpu.memref_slice %arg9[%scan3A_20, %run_scoped3A, %dma_start3A_34] : memref<79x1x128xi32, #tpu.memory_space<vmem>> -> memref<1x1x128xi32, #tpu.memory_space<vmem>>
          %dma_start3A_36 = tpu.memref_squeeze %dma_start3A_35 : memref<1x1x128xi32, #tpu.memory_space<vmem>> -> memref<128xi32, #tpu.memory_space<vmem>>
          %dma_start3A_37 = arith.constant 0 : i32
          %dma_start3A_38 = arith.constant 0 : i32
          %dma_start3A_39 = tpu.memref_slice %arg11[%dma_start3A_37, %dma_start3A_38] : memref<10112x128xf32, #tpu.memory_space<vmem_shared>> -> memref<10112x128xf32, #tpu.memory_space<vmem_shared>>
          tpu.enqueue_indirect_dma source(%arg10 : memref<128x128xf32, #tpu.memory_space<vmem>>) target(%dma_start3A_39 : memref<10112x128xf32, #tpu.memory_space<vmem_shared>>) offsets(%dma_start3A_36 : memref<128xi32, #tpu.memory_space<vmem>>) semaphore(%run_scoped3A_33 : memref<!tpu.dma_semaphore, #tpu.memory_space<semaphore_mem>>) {add = true}
          %dma_wait3A_40 = arith.constant 0 : i32
          %dma_wait3A_41 = tpu.memref_slice %arg9[%scan3A_20, %run_scoped3A, %dma_wait3A_40] : memref<79x1x128xi32, #tpu.memory_space<vmem>> -> memref<1x1x128xi32, #tpu.memory_space<vmem>>
          %dma_wait3A_42 = tpu.memref_squeeze %dma_wait3A_41 : memref<1x1x128xi32, #tpu.memory_space<vmem>> -> memref<128xi32, #tpu.memory_space<vmem>>
          %dma_wait3A_43 = arith.constant 0 : i32
          %dma_wait3A_44 = arith.constant 0 : i32
          %dma_wait3A_45 = tpu.memref_slice %arg11[%dma_wait3A_43, %dma_wait3A_44] : memref<10112x128xf32, #tpu.memory_space<vmem_shared>> -> memref<10112x128xf32, #tpu.memory_space<vmem_shared>>
          tpu.wait_indirect_dma semaphore(%run_scoped3A_33 : memref<!tpu.dma_semaphore, #tpu.memory_space<semaphore_mem>>) src(%arg10 : memref<128x128xf32, #tpu.memory_space<vmem>>) dst(%dma_wait3A_45 : memref<10112x128xf32, #tpu.memory_space<vmem_shared>>)
          tpu.yield
        }) : () -> ()
      }
      %scan3A_14 = arith.constant 79 : i32
      %barrier3A_15 = arith.constant 0 : index
      tpu.barrier barrier_id(%barrier3A_15)
      %mul3A_16 = arith.constant 632 : i32
      %mul3A_17 = arith.muli %arg1, %mul3A_16 : i32
      %mul3A_18 = arith.constant 632 : i32
      %mul3A_19 = arith.muli %arg1, %mul3A_18 : i32
      "tpu.region"() ({
        %run_scoped3A = tpu.sem_alloc : memref<!tpu.dma_semaphore, #tpu.memory_space<semaphore_mem>>
        %dma_start3A = arith.constant 0 : i32
        %dma_start3A_20 = tpu.memref_slice %arg6[%mul3A_19, %dma_start3A] : memref<10112x128xf32, #tpu.memory_space<hbm>> -> memref<632x128xf32, #tpu.memory_space<hbm>>
        %dma_start3A_21 = arith.constant 0 : i32
        %dma_start3A_22 = tpu.memref_slice %arg11[%mul3A_17, %dma_start3A_21] : memref<10112x128xf32, #tpu.memory_space<vmem_shared>> -> memref<632x128xf32, #tpu.memory_space<vmem_shared>>
        tpu.enqueue_dma source(%dma_start3A_22 : memref<632x128xf32, #tpu.memory_space<vmem_shared>>) target(%dma_start3A_20 : memref<632x128xf32, #tpu.memory_space<hbm>>) target_semaphore(%run_scoped3A : memref<!tpu.dma_semaphore, #tpu.memory_space<semaphore_mem>>)
        %dma_wait3A = arith.constant 0 : i32
        %dma_wait3A_23 = tpu.memref_slice %arg6[%mul3A_19, %dma_wait3A] : memref<10112x128xf32, #tpu.memory_space<hbm>> -> memref<632x128xf32, #tpu.memory_space<hbm>>
        %dma_wait3A_24 = arith.constant 0 : i32
        %dma_wait3A_25 = tpu.memref_slice %arg11[%mul3A_17, %dma_wait3A_24] : memref<10112x128xf32, #tpu.memory_space<vmem_shared>> -> memref<632x128xf32, #tpu.memory_space<vmem_shared>>
        tpu.wait_dma2 semaphore(%run_scoped3A : memref<!tpu.dma_semaphore, #tpu.memory_space<semaphore_mem>>) src(%dma_wait3A_25 : memref<632x128xf32, #tpu.memory_space<vmem_shared>>) dst(%dma_wait3A_23 : memref<632x128xf32, #tpu.memory_space<hbm>>)
        tpu.yield
      }) : () -> ()
    } else {
    }
    %eq3A_2 = arith.constant 1 : i32
    %eq3A_3 = arith.cmpi eq, %arg0, %eq3A_2 : i32
    %convert_element_type3A_4 = arith.extui %eq3A_3 : i1 to i32
    %cond3A_5 = arith.constant 0 : i32
    %cond3A_6 = arith.cmpi ne, %convert_element_type3A_4, %cond3A_5 : i32
    scf.if %cond3A_6 {
      %mul3A = arith.constant 632 : i32
      %mul3A_7 = arith.muli %arg1, %mul3A : i32
      %mul3A_8 = arith.constant 632 : i32
      %mul3A_9 = arith.muli %arg1, %mul3A_8 : i32
      "tpu.region"() ({
        %run_scoped3A = tpu.sem_alloc : memref<!tpu.dma_semaphore, #tpu.memory_space<semaphore_mem>>
        %dma_start3A = arith.constant 0 : i32
        %dma_start3A_20 = tpu.memref_slice %arg11[%mul3A_9, %dma_start3A] : memref<10112x128xf32, #tpu.memory_space<vmem_shared>> -> memref<632x128xf32, #tpu.memory_space<vmem_shared>>
        %dma_start3A_21 = arith.constant 0 : i32
        %dma_start3A_22 = tpu.memref_slice %arg3[%mul3A_7, %dma_start3A_21] : memref<10112x128xf32, #tpu.memory_space<hbm>> -> memref<632x128xf32, #tpu.memory_space<hbm>>
        tpu.enqueue_dma source(%dma_start3A_22 : memref<632x128xf32, #tpu.memory_space<hbm>>) target(%dma_start3A_20 : memref<632x128xf32, #tpu.memory_space<vmem_shared>>) target_semaphore(%run_scoped3A : memref<!tpu.dma_semaphore, #tpu.memory_space<semaphore_mem>>)
        %dma_wait3A = arith.constant 0 : i32
        %dma_wait3A_23 = tpu.memref_slice %arg11[%mul3A_9, %dma_wait3A] : memref<10112x128xf32, #tpu.memory_space<vmem_shared>> -> memref<632x128xf32, #tpu.memory_space<vmem_shared>>
        %dma_wait3A_24 = arith.constant 0 : i32
        %dma_wait3A_25 = tpu.memref_slice %arg3[%mul3A_7, %dma_wait3A_24] : memref<10112x128xf32, #tpu.memory_space<hbm>> -> memref<632x128xf32, #tpu.memory_space<hbm>>
        tpu.wait_dma2 semaphore(%run_scoped3A : memref<!tpu.dma_semaphore, #tpu.memory_space<semaphore_mem>>) src(%dma_wait3A_25 : memref<632x128xf32, #tpu.memory_space<hbm>>) dst(%dma_wait3A_23 : memref<632x128xf32, #tpu.memory_space<vmem_shared>>)
        tpu.yield
      }) : () -> ()
      %barrier3A = arith.constant 0 : index
      tpu.barrier barrier_id(%barrier3A)
      %scan3A = arith.constant 0 : i32
      %scan3A_10 = arith.constant 0 : i32
      %scan3A_11 = arith.constant 79 : i32
      %scan3A_12 = arith.addi %scan3A_10, %scan3A_11 : i32
      %scan3A_13 = arith.constant 1 : i32
      scf.for %scan3A_20 = %scan3A_10 to %scan3A_12 step %scan3A_13  : i32 {
        %dma_start3A = arith.constant 0 : i32
        %dma_start3A_21 = arith.constant 0 : i32
        %dma_start3A_22 = tpu.memref_slice %arg8[%scan3A_20, %dma_start3A, %dma_start3A_21] : memref<79x1x128xi32, #tpu.memory_space<vmem>> -> memref<1x1x128xi32, #tpu.memory_space<vmem>>
        %dma_start3A_23 = tpu.memref_squeeze %dma_start3A_22 : memref<1x1x128xi32, #tpu.memory_space<vmem>> -> memref<128xi32, #tpu.memory_space<vmem>>
        %dma_start3A_24 = arith.constant 0 : i32
        %dma_start3A_25 = arith.constant 0 : i32
        %dma_start3A_26 = tpu.memref_slice %arg3[%dma_start3A_24, %dma_start3A_25] : memref<10112x128xf32, #tpu.memory_space<hbm>> -> memref<10112x128xf32, #tpu.memory_space<hbm>>
        tpu.enqueue_indirect_dma source(%dma_start3A_26 : memref<10112x128xf32, #tpu.memory_space<hbm>>) target(%arg10 : memref<128x128xf32, #tpu.memory_space<vmem>>) offsets(%dma_start3A_23 : memref<128xi32, #tpu.memory_space<vmem>>) semaphore(%arg12 : memref<!tpu.dma_semaphore, #tpu.memory_space<semaphore_mem>>)
        %dma_wait3A = arith.constant 0 : i32
        %dma_wait3A_27 = arith.constant 0 : i32
        %dma_wait3A_28 = tpu.memref_slice %arg8[%scan3A_20, %dma_wait3A, %dma_wait3A_27] : memref<79x1x128xi32, #tpu.memory_space<vmem>> -> memref<1x1x128xi32, #tpu.memory_space<vmem>>
        %dma_wait3A_29 = tpu.memref_squeeze %dma_wait3A_28 : memref<1x1x128xi32, #tpu.memory_space<vmem>> -> memref<128xi32, #tpu.memory_space<vmem>>
        %dma_wait3A_30 = arith.constant 0 : i32
        %dma_wait3A_31 = arith.constant 0 : i32
        %dma_wait3A_32 = tpu.memref_slice %arg3[%dma_wait3A_30, %dma_wait3A_31] : memref<10112x128xf32, #tpu.memory_space<hbm>> -> memref<10112x128xf32, #tpu.memory_space<hbm>>
        tpu.wait_indirect_dma semaphore(%arg12 : memref<!tpu.dma_semaphore, #tpu.memory_space<semaphore_mem>>) src(%dma_wait3A_32 : memref<10112x128xf32, #tpu.memory_space<hbm>>) dst(%arg10 : memref<128x128xf32, #tpu.memory_space<vmem>>)
        %run_scoped3A = arith.constant 0 : i32
        "tpu.region"() ({
          %run_scoped3A_33 = tpu.sem_alloc : memref<!tpu.dma_semaphore, #tpu.memory_space<semaphore_mem>>
          %dma_start3A_34 = arith.constant 0 : i32
          %dma_start3A_35 = tpu.memref_slice %arg9[%scan3A_20, %run_scoped3A, %dma_start3A_34] : memref<79x1x128xi32, #tpu.memory_space<vmem>> -> memref<1x1x128xi32, #tpu.memory_space<vmem>>
          %dma_start3A_36 = tpu.memref_squeeze %dma_start3A_35 : memref<1x1x128xi32, #tpu.memory_space<vmem>> -> memref<128xi32, #tpu.memory_space<vmem>>
          %dma_start3A_37 = arith.constant 0 : i32
          %dma_start3A_38 = arith.constant 0 : i32
          %dma_start3A_39 = tpu.memref_slice %arg11[%dma_start3A_37, %dma_start3A_38] : memref<10112x128xf32, #tpu.memory_space<vmem_shared>> -> memref<10112x128xf32, #tpu.memory_space<vmem_shared>>
          tpu.enqueue_indirect_dma source(%arg10 : memref<128x128xf32, #tpu.memory_space<vmem>>) target(%dma_start3A_39 : memref<10112x128xf32, #tpu.memory_space<vmem_shared>>) offsets(%dma_start3A_36 : memref<128xi32, #tpu.memory_space<vmem>>) semaphore(%run_scoped3A_33 : memref<!tpu.dma_semaphore, #tpu.memory_space<semaphore_mem>>) {add = true}
          %dma_wait3A_40 = arith.constant 0 : i32
          %dma_wait3A_41 = tpu.memref_slice %arg9[%scan3A_20, %run_scoped3A, %dma_wait3A_40] : memref<79x1x128xi32, #tpu.memory_space<vmem>> -> memref<1x1x128xi32, #tpu.memory_space<vmem>>
          %dma_wait3A_42 = tpu.memref_squeeze %dma_wait3A_41 : memref<1x1x128xi32, #tpu.memory_space<vmem>> -> memref<128xi32, #tpu.memory_space<vmem>>
          %dma_wait3A_43 = arith.constant 0 : i32
          %dma_wait3A_44 = arith.constant 0 : i32
          %dma_wait3A_45 = tpu.memref_slice %arg11[%dma_wait3A_43, %dma_wait3A_44] : memref<10112x128xf32, #tpu.memory_space<vmem_shared>> -> memref<10112x128xf32, #tpu.memory_space<vmem_shared>>
          tpu.wait_indirect_dma semaphore(%run_scoped3A_33 : memref<!tpu.dma_semaphore, #tpu.memory_space<semaphore_mem>>) src(%arg10 : memref<128x128xf32, #tpu.memory_space<vmem>>) dst(%dma_wait3A_45 : memref<10112x128xf32, #tpu.memory_space<vmem_shared>>)
          tpu.yield
        }) : () -> ()
      }
      %scan3A_14 = arith.constant 79 : i32
      %barrier3A_15 = arith.constant 0 : index
      tpu.barrier barrier_id(%barrier3A_15)
      %mul3A_16 = arith.constant 632 : i32
      %mul3A_17 = arith.muli %arg1, %mul3A_16 : i32
      %mul3A_18 = arith.constant 632 : i32
      %mul3A_19 = arith.muli %arg1, %mul3A_18 : i32
      "tpu.region"() ({
        %run_scoped3A = tpu.sem_alloc : memref<!tpu.dma_semaphore, #tpu.memory_space<semaphore_mem>>
        %dma_start3A = arith.constant 0 : i32
        %dma_start3A_20 = tpu.memref_slice %arg7[%mul3A_19, %dma_start3A] : memref<10112x128xf32, #tpu.memory_space<hbm>> -> memref<632x128xf32, #tpu.memory_space<hbm>>
        %dma_start3A_21 = arith.constant 0 : i32
        %dma_start3A_22 = tpu.memref_slice %arg11[%mul3A_17, %dma_start3A_21] : memref<10112x128xf32, #tpu.memory_space<vmem_shared>> -> memref<632x128xf32, #tpu.memory_space<vmem_shared>>
        tpu.enqueue_dma source(%dma_start3A_22 : memref<632x128xf32, #tpu.memory_space<vmem_shared>>) target(%dma_start3A_20 : memref<632x128xf32, #tpu.memory_space<hbm>>) target_semaphore(%run_scoped3A : memref<!tpu.dma_semaphore, #tpu.memory_space<semaphore_mem>>)
        %dma_wait3A = arith.constant 0 : i32
        %dma_wait3A_23 = tpu.memref_slice %arg7[%mul3A_19, %dma_wait3A] : memref<10112x128xf32, #tpu.memory_space<hbm>> -> memref<632x128xf32, #tpu.memory_space<hbm>>
        %dma_wait3A_24 = arith.constant 0 : i32
        %dma_wait3A_25 = tpu.memref_slice %arg11[%mul3A_17, %dma_wait3A_24] : memref<10112x128xf32, #tpu.memory_space<vmem_shared>> -> memref<632x128xf32, #tpu.memory_space<vmem_shared>>
        tpu.wait_dma2 semaphore(%run_scoped3A : memref<!tpu.dma_semaphore, #tpu.memory_space<semaphore_mem>>) src(%dma_wait3A_25 : memref<632x128xf32, #tpu.memory_space<vmem_shared>>) dst(%dma_wait3A_23 : memref<632x128xf32, #tpu.memory_space<hbm>>)
        tpu.yield
      }) : () -> ()
    } else {
    }
    return
  }
}

#map = affine_map<(d0, d1) -> (0, 0)>
#map1 = affine_map<(d0, d1) -> (0, 0, 0, 0)>
module attributes {stable_mosaic.version = 14 : i64} {
  func.func @k(%arg0: i32, %arg1: i32, %arg2: memref<10112x128xf32, #tpu.memory_space<hbm>>, %arg3: memref<10112x128xf32, #tpu.memory_space<hbm>>, %arg4: memref<16x79x1x128xi32, #tpu.memory_space<hbm>>, %arg5: memref<16x79x1x128xi32, #tpu.memory_space<hbm>>, %arg6: memref<10112x128xf32, #tpu.memory_space<hbm>>, %arg7: memref<10112x128xf32, #tpu.memory_space<hbm>>, %arg8: memref<79x1x128xi32, #tpu.memory_space<vmem>>, %arg9: memref<79x1x128xi32, #tpu.memory_space<vmem>>, %arg10: memref<128x128xf32, #tpu.memory_space<vmem>>, %arg11: memref<10112x128xf32, #tpu.memory_space<vmem_shared>>, %arg12: memref<!tpu.dma_semaphore, #tpu.memory_space<semaphore_mem>>) attributes {dimension_semantics = [#tpu.dimension_semantics<core_parallel>, #tpu.dimension_semantics<subcore_parallel>], iteration_bounds = array<i64: 2, 16>, scalar_prefetch = 0 : i64, scratch_operands = 5 : i64, tpu.core_type = #tpu.core_type<sc_vector_subcore>, window_params = [{transform_indices = #map}, {transform_indices = #map}, {transform_indices = #map1}, {transform_indices = #map1}, {transform_indices = #map}, {transform_indices = #map}]} {
    "tpu.region"() ({
      %run_scoped3A = tpu.sem_alloc : memref<!tpu.dma_semaphore, #tpu.memory_space<semaphore_mem>>
      %dma_start3A = arith.constant 0 : i32
      %dma_start3A_7 = arith.constant 0 : i32
      %dma_start3A_8 = arith.constant 0 : i32
      %dma_start3A_9 = tpu.memref_slice %arg4[%arg1, %dma_start3A, %dma_start3A_7, %dma_start3A_8] : memref<16x79x1x128xi32, #tpu.memory_space<hbm>> -> memref<1x79x1x128xi32, #tpu.memory_space<hbm>>
      %dma_start3A_10 = tpu.memref_squeeze %dma_start3A_9 : memref<1x79x1x128xi32, #tpu.memory_space<hbm>> -> memref<79x1x128xi32, #tpu.memory_space<hbm>>
      %dma_start3A_11 = arith.constant 0 : i32
      %dma_start3A_12 = arith.constant 0 : i32
      %dma_start3A_13 = arith.constant 0 : i32
      %dma_start3A_14 = tpu.memref_slice %arg4[%arg1, %dma_start3A_11, %dma_start3A_12, %dma_start3A_13] : memref<16x79x1x128xi32, #tpu.memory_space<hbm>> -> memref<1x79x1x128xi32, #tpu.memory_space<hbm>>
      %dma_start3A_15 = tpu.memref_squeeze %dma_start3A_14 : memref<1x79x1x128xi32, #tpu.memory_space<hbm>> -> memref<79x1x128xi32, #tpu.memory_space<hbm>>
      tpu.enqueue_dma source(%dma_start3A_15 : memref<79x1x128xi32, #tpu.memory_space<hbm>>) target(%arg8 : memref<79x1x128xi32, #tpu.memory_space<vmem>>) target_semaphore(%run_scoped3A : memref<!tpu.dma_semaphore, #tpu.memory_space<semaphore_mem>>)
      %dma_wait3A = arith.constant 0 : i32
      %dma_wait3A_16 = arith.constant 0 : i32
      %dma_wait3A_17 = arith.constant 0 : i32
      %dma_wait3A_18 = tpu.memref_slice %arg4[%arg1, %dma_wait3A, %dma_wait3A_16, %dma_wait3A_17] : memref<16x79x1x128xi32, #tpu.memory_space<hbm>> -> memref<1x79x1x128xi32, #tpu.memory_space<hbm>>
      %dma_wait3A_19 = tpu.memref_squeeze %dma_wait3A_18 : memref<1x79x1x128xi32, #tpu.memory_space<hbm>> -> memref<79x1x128xi32, #tpu.memory_space<hbm>>
      %dma_wait3A_20 = arith.constant 0 : i32
      %dma_wait3A_21 = arith.constant 0 : i32
      %dma_wait3A_22 = arith.constant 0 : i32
      %dma_wait3A_23 = tpu.memref_slice %arg4[%arg1, %dma_wait3A_20, %dma_wait3A_21, %dma_wait3A_22] : memref<16x79x1x128xi32, #tpu.memory_space<hbm>> -> memref<1x79x1x128xi32, #tpu.memory_space<hbm>>
      %dma_wait3A_24 = tpu.memref_squeeze %dma_wait3A_23 : memref<1x79x1x128xi32, #tpu.memory_space<hbm>> -> memref<79x1x128xi32, #tpu.memory_space<hbm>>
      tpu.wait_dma2 semaphore(%run_scoped3A : memref<!tpu.dma_semaphore, #tpu.memory_space<semaphore_mem>>) src(%dma_wait3A_24 : memref<79x1x128xi32, #tpu.memory_space<hbm>>) dst(%arg8 : memref<79x1x128xi32, #tpu.memory_space<vmem>>)
      tpu.yield
    }) : () -> ()
    "tpu.region"() ({
      %run_scoped3A = tpu.sem_alloc : memref<!tpu.dma_semaphore, #tpu.memory_space<semaphore_mem>>
      %dma_start3A = arith.constant 0 : i32
      %dma_start3A_7 = arith.constant 0 : i32
      %dma_start3A_8 = arith.constant 0 : i32
      %dma_start3A_9 = tpu.memref_slice %arg5[%arg1, %dma_start3A, %dma_start3A_7, %dma_start3A_8] : memref<16x79x1x128xi32, #tpu.memory_space<hbm>> -> memref<1x79x1x128xi32, #tpu.memory_space<hbm>>
      %dma_start3A_10 = tpu.memref_squeeze %dma_start3A_9 : memref<1x79x1x128xi32, #tpu.memory_space<hbm>> -> memref<79x1x128xi32, #tpu.memory_space<hbm>>
      %dma_start3A_11 = arith.constant 0 : i32
      %dma_start3A_12 = arith.constant 0 : i32
      %dma_start3A_13 = arith.constant 0 : i32
      %dma_start3A_14 = tpu.memref_slice %arg5[%arg1, %dma_start3A_11, %dma_start3A_12, %dma_start3A_13] : memref<16x79x1x128xi32, #tpu.memory_space<hbm>> -> memref<1x79x1x128xi32, #tpu.memory_space<hbm>>
      %dma_start3A_15 = tpu.memref_squeeze %dma_start3A_14 : memref<1x79x1x128xi32, #tpu.memory_space<hbm>> -> memref<79x1x128xi32, #tpu.memory_space<hbm>>
      tpu.enqueue_dma source(%dma_start3A_15 : memref<79x1x128xi32, #tpu.memory_space<hbm>>) target(%arg9 : memref<79x1x128xi32, #tpu.memory_space<vmem>>) target_semaphore(%run_scoped3A : memref<!tpu.dma_semaphore, #tpu.memory_space<semaphore_mem>>)
      %dma_wait3A = arith.constant 0 : i32
      %dma_wait3A_16 = arith.constant 0 : i32
      %dma_wait3A_17 = arith.constant 0 : i32
      %dma_wait3A_18 = tpu.memref_slice %arg5[%arg1, %dma_wait3A, %dma_wait3A_16, %dma_wait3A_17] : memref<16x79x1x128xi32, #tpu.memory_space<hbm>> -> memref<1x79x1x128xi32, #tpu.memory_space<hbm>>
      %dma_wait3A_19 = tpu.memref_squeeze %dma_wait3A_18 : memref<1x79x1x128xi32, #tpu.memory_space<hbm>> -> memref<79x1x128xi32, #tpu.memory_space<hbm>>
      %dma_wait3A_20 = arith.constant 0 : i32
      %dma_wait3A_21 = arith.constant 0 : i32
      %dma_wait3A_22 = arith.constant 0 : i32
      %dma_wait3A_23 = tpu.memref_slice %arg5[%arg1, %dma_wait3A_20, %dma_wait3A_21, %dma_wait3A_22] : memref<16x79x1x128xi32, #tpu.memory_space<hbm>> -> memref<1x79x1x128xi32, #tpu.memory_space<hbm>>
      %dma_wait3A_24 = tpu.memref_squeeze %dma_wait3A_23 : memref<1x79x1x128xi32, #tpu.memory_space<hbm>> -> memref<79x1x128xi32, #tpu.memory_space<hbm>>
      tpu.wait_dma2 semaphore(%run_scoped3A : memref<!tpu.dma_semaphore, #tpu.memory_space<semaphore_mem>>) src(%dma_wait3A_24 : memref<79x1x128xi32, #tpu.memory_space<hbm>>) dst(%arg9 : memref<79x1x128xi32, #tpu.memory_space<vmem>>)
      tpu.yield
    }) : () -> ()
    %eq3A = arith.constant 0 : i32
    %eq3A_0 = arith.cmpi eq, %arg0, %eq3A : i32
    %convert_element_type3A = arith.extui %eq3A_0 : i1 to i32
    %cond3A = arith.constant 0 : i32
    %cond3A_1 = arith.cmpi ne, %convert_element_type3A, %cond3A : i32
    scf.if %cond3A_1 {
      %mul3A = arith.constant 632 : i32
      %mul3A_7 = arith.muli %arg1, %mul3A : i32
      %mul3A_8 = arith.constant 632 : i32
      %mul3A_9 = arith.muli %arg1, %mul3A_8 : i32
      "tpu.region"() ({
        %run_scoped3A = tpu.sem_alloc : memref<!tpu.dma_semaphore, #tpu.memory_space<semaphore_mem>>
        %dma_start3A = arith.constant 0 : i32
        %dma_start3A_20 = tpu.memref_slice %arg11[%mul3A_9, %dma_start3A] : memref<10112x128xf32, #tpu.memory_space<vmem_shared>> -> memref<632x128xf32, #tpu.memory_space<vmem_shared>>
        %dma_start3A_21 = arith.constant 0 : i32
        %dma_start3A_22 = tpu.memref_slice %arg2[%mul3A_7, %dma_start3A_21] : memref<10112x128xf32, #tpu.memory_space<hbm>> -> memref<632x128xf32, #tpu.memory_space<hbm>>
        tpu.enqueue_dma source(%dma_start3A_22 : memref<632x128xf32, #tpu.memory_space<hbm>>) target(%dma_start3A_20 : memref<632x128xf32, #tpu.memory_space<vmem_shared>>) target_semaphore(%run_scoped3A : memref<!tpu.dma_semaphore, #tpu.memory_space<semaphore_mem>>)
        %dma_wait3A = arith.constant 0 : i32
        %dma_wait3A_23 = tpu.memref_slice %arg11[%mul3A_9, %dma_wait3A] : memref<10112x128xf32, #tpu.memory_space<vmem_shared>> -> memref<632x128xf32, #tpu.memory_space<vmem_shared>>
        %dma_wait3A_24 = arith.constant 0 : i32
        %dma_wait3A_25 = tpu.memref_slice %arg2[%mul3A_7, %dma_wait3A_24] : memref<10112x128xf32, #tpu.memory_space<hbm>> -> memref<632x128xf32, #tpu.memory_space<hbm>>
        tpu.wait_dma2 semaphore(%run_scoped3A : memref<!tpu.dma_semaphore, #tpu.memory_space<semaphore_mem>>) src(%dma_wait3A_25 : memref<632x128xf32, #tpu.memory_space<hbm>>) dst(%dma_wait3A_23 : memref<632x128xf32, #tpu.memory_space<vmem_shared>>)
        tpu.yield
      }) : () -> ()
      %barrier3A = arith.constant 0 : index
      tpu.barrier barrier_id(%barrier3A)
      %scan3A = arith.constant 0 : i32
      %scan3A_10 = arith.constant 0 : i32
      %scan3A_11 = arith.constant 79 : i32
      %scan3A_12 = arith.addi %scan3A_10, %scan3A_11 : i32
      %scan3A_13 = arith.constant 1 : i32
      scf.for %scan3A_20 = %scan3A_10 to %scan3A_12 step %scan3A_13  : i32 {
        %dma_start3A = arith.constant 0 : i32
        %dma_start3A_21 = arith.constant 0 : i32
        %dma_start3A_22 = tpu.memref_slice %arg8[%scan3A_20, %dma_start3A, %dma_start3A_21] : memref<79x1x128xi32, #tpu.memory_space<vmem>> -> memref<1x1x128xi32, #tpu.memory_space<vmem>>
        %dma_start3A_23 = tpu.memref_squeeze %dma_start3A_22 : memref<1x1x128xi32, #tpu.memory_space<vmem>> -> memref<128xi32, #tpu.memory_space<vmem>>
        %dma_start3A_24 = arith.constant 0 : i32
        %dma_start3A_25 = arith.constant 0 : i32
        %dma_start3A_26 = tpu.memref_slice %arg2[%dma_start3A_24, %dma_start3A_25] : memref<10112x128xf32, #tpu.memory_space<hbm>> -> memref<10112x128xf32, #tpu.memory_space<hbm>>
        tpu.enqueue_indirect_dma source(%dma_start3A_26 : memref<10112x128xf32, #tpu.memory_space<hbm>>) target(%arg10 : memref<128x128xf32, #tpu.memory_space<vmem>>) offsets(%dma_start3A_23 : memref<128xi32, #tpu.memory_space<vmem>>) semaphore(%arg12 : memref<!tpu.dma_semaphore, #tpu.memory_space<semaphore_mem>>)
        %dma_wait3A = arith.constant 0 : i32
        %dma_wait3A_27 = arith.constant 0 : i32
        %dma_wait3A_28 = tpu.memref_slice %arg8[%scan3A_20, %dma_wait3A, %dma_wait3A_27] : memref<79x1x128xi32, #tpu.memory_space<vmem>> -> memref<1x1x128xi32, #tpu.memory_space<vmem>>
        %dma_wait3A_29 = tpu.memref_squeeze %dma_wait3A_28 : memref<1x1x128xi32, #tpu.memory_space<vmem>> -> memref<128xi32, #tpu.memory_space<vmem>>
        %dma_wait3A_30 = arith.constant 0 : i32
        %dma_wait3A_31 = arith.constant 0 : i32
        %dma_wait3A_32 = tpu.memref_slice %arg2[%dma_wait3A_30, %dma_wait3A_31] : memref<10112x128xf32, #tpu.memory_space<hbm>> -> memref<10112x128xf32, #tpu.memory_space<hbm>>
        tpu.wait_indirect_dma semaphore(%arg12 : memref<!tpu.dma_semaphore, #tpu.memory_space<semaphore_mem>>) src(%dma_wait3A_32 : memref<10112x128xf32, #tpu.memory_space<hbm>>) dst(%arg10 : memref<128x128xf32, #tpu.memory_space<vmem>>)
        %run_scoped3A = arith.constant 0 : i32
        "tpu.region"() ({
          %run_scoped3A_33 = tpu.sem_alloc : memref<!tpu.dma_semaphore, #tpu.memory_space<semaphore_mem>>
          %dma_start3A_34 = arith.constant 0 : i32
          %dma_start3A_35 = tpu.memref_slice %arg9[%scan3A_20, %run_scoped3A, %dma_start3A_34] : memref<79x1x128xi32, #tpu.memory_space<vmem>> -> memref<1x1x128xi32, #tpu.memory_space<vmem>>
          %dma_start3A_36 = tpu.memref_squeeze %dma_start3A_35 : memref<1x1x128xi32, #tpu.memory_space<vmem>> -> memref<128xi32, #tpu.memory_space<vmem>>
          %dma_start3A_37 = arith.constant 0 : i32
          %dma_start3A_38 = arith.constant 0 : i32
          %dma_start3A_39 = tpu.memref_slice %arg11[%dma_start3A_37, %dma_start3A_38] : memref<10112x128xf32, #tpu.memory_space<vmem_shared>> -> memref<10112x128xf32, #tpu.memory_space<vmem_shared>>
          tpu.enqueue_indirect_dma source(%arg10 : memref<128x128xf32, #tpu.memory_space<vmem>>) target(%dma_start3A_39 : memref<10112x128xf32, #tpu.memory_space<vmem_shared>>) offsets(%dma_start3A_36 : memref<128xi32, #tpu.memory_space<vmem>>) semaphore(%run_scoped3A_33 : memref<!tpu.dma_semaphore, #tpu.memory_space<semaphore_mem>>) {add = true}
          %dma_wait3A_40 = arith.constant 0 : i32
          %dma_wait3A_41 = tpu.memref_slice %arg9[%scan3A_20, %run_scoped3A, %dma_wait3A_40] : memref<79x1x128xi32, #tpu.memory_space<vmem>> -> memref<1x1x128xi32, #tpu.memory_space<vmem>>
          %dma_wait3A_42 = tpu.memref_squeeze %dma_wait3A_41 : memref<1x1x128xi32, #tpu.memory_space<vmem>> -> memref<128xi32, #tpu.memory_space<vmem>>
          %dma_wait3A_43 = arith.constant 0 : i32
          %dma_wait3A_44 = arith.constant 0 : i32
          %dma_wait3A_45 = tpu.memref_slice %arg11[%dma_wait3A_43, %dma_wait3A_44] : memref<10112x128xf32, #tpu.memory_space<vmem_shared>> -> memref<10112x128xf32, #tpu.memory_space<vmem_shared>>
          tpu.wait_indirect_dma semaphore(%run_scoped3A_33 : memref<!tpu.dma_semaphore, #tpu.memory_space<semaphore_mem>>) src(%arg10 : memref<128x128xf32, #tpu.memory_space<vmem>>) dst(%dma_wait3A_45 : memref<10112x128xf32, #tpu.memory_space<vmem_shared>>)
          tpu.yield
        }) : () -> ()
      }
      %scan3A_14 = arith.constant 79 : i32
      %barrier3A_15 = arith.constant 0 : index
      tpu.barrier barrier_id(%barrier3A_15)
      %mul3A_16 = arith.constant 632 : i32
      %mul3A_17 = arith.muli %arg1, %mul3A_16 : i32
      %mul3A_18 = arith.constant 632 : i32
      %mul3A_19 = arith.muli %arg1, %mul3A_18 : i32
      "tpu.region"() ({
        %run_scoped3A = tpu.sem_alloc : memref<!tpu.dma_semaphore, #tpu.memory_space<semaphore_mem>>
        %dma_start3A = arith.constant 0 : i32
        %dma_start3A_20 = tpu.memref_slice %arg6[%mul3A_19, %dma_start3A] : memref<10112x128xf32, #tpu.memory_space<hbm>> -> memref<632x128xf32, #tpu.memory_space<hbm>>
        %dma_start3A_21 = arith.constant 0 : i32
        %dma_start3A_22 = tpu.memref_slice %arg11[%mul3A_17, %dma_start3A_21] : memref<10112x128xf32, #tpu.memory_space<vmem_shared>> -> memref<632x128xf32, #tpu.memory_space<vmem_shared>>
        tpu.enqueue_dma source(%dma_start3A_22 : memref<632x128xf32, #tpu.memory_space<vmem_shared>>) target(%dma_start3A_20 : memref<632x128xf32, #tpu.memory_space<hbm>>) target_semaphore(%run_scoped3A : memref<!tpu.dma_semaphore, #tpu.memory_space<semaphore_mem>>)
        %dma_wait3A = arith.constant 0 : i32
        %dma_wait3A_23 = tpu.memref_slice %arg6[%mul3A_19, %dma_wait3A] : memref<10112x128xf32, #tpu.memory_space<hbm>> -> memref<632x128xf32, #tpu.memory_space<hbm>>
        %dma_wait3A_24 = arith.constant 0 : i32
        %dma_wait3A_25 = tpu.memref_slice %arg11[%mul3A_17, %dma_wait3A_24] : memref<10112x128xf32, #tpu.memory_space<vmem_shared>> -> memref<632x128xf32, #tpu.memory_space<vmem_shared>>
        tpu.wait_dma2 semaphore(%run_scoped3A : memref<!tpu.dma_semaphore, #tpu.memory_space<semaphore_mem>>) src(%dma_wait3A_25 : memref<632x128xf32, #tpu.memory_space<vmem_shared>>) dst(%dma_wait3A_23 : memref<632x128xf32, #tpu.memory_space<hbm>>)
        tpu.yield
      }) : () -> ()
    } else {
    }
    %eq3A_2 = arith.constant 1 : i32
    %eq3A_3 = arith.cmpi eq, %arg0, %eq3A_2 : i32
    %convert_element_type3A_4 = arith.extui %eq3A_3 : i1 to i32
    %cond3A_5 = arith.constant 0 : i32
    %cond3A_6 = arith.cmpi ne, %convert_element_type3A_4, %cond3A_5 : i32
    scf.if %cond3A_6 {
      %mul3A = arith.constant 632 : i32
      %mul3A_7 = arith.muli %arg1, %mul3A : i32
      %mul3A_8 = arith.constant 632 : i32
      %mul3A_9 = arith.muli %arg1, %mul3A_8 : i32
      "tpu.region"() ({
        %run_scoped3A = tpu.sem_alloc : memref<!tpu.dma_semaphore, #tpu.memory_space<semaphore_mem>>
        %dma_start3A = arith.constant 0 : i32
        %dma_start3A_20 = tpu.memref_slice %arg11[%mul3A_9, %dma_start3A] : memref<10112x128xf32, #tpu.memory_space<vmem_shared>> -> memref<632x128xf32, #tpu.memory_space<vmem_shared>>
        %dma_start3A_21 = arith.constant 0 : i32
        %dma_start3A_22 = tpu.memref_slice %arg3[%mul3A_7, %dma_start3A_21] : memref<10112x128xf32, #tpu.memory_space<hbm>> -> memref<632x128xf32, #tpu.memory_space<hbm>>
        tpu.enqueue_dma source(%dma_start3A_22 : memref<632x128xf32, #tpu.memory_space<hbm>>) target(%dma_start3A_20 : memref<632x128xf32, #tpu.memory_space<vmem_shared>>) target_semaphore(%run_scoped3A : memref<!tpu.dma_semaphore, #tpu.memory_space<semaphore_mem>>)
        %dma_wait3A = arith.constant 0 : i32
        %dma_wait3A_23 = tpu.memref_slice %arg11[%mul3A_9, %dma_wait3A] : memref<10112x128xf32, #tpu.memory_space<vmem_shared>> -> memref<632x128xf32, #tpu.memory_space<vmem_shared>>
        %dma_wait3A_24 = arith.constant 0 : i32
        %dma_wait3A_25 = tpu.memref_slice %arg3[%mul3A_7, %dma_wait3A_24] : memref<10112x128xf32, #tpu.memory_space<hbm>> -> memref<632x128xf32, #tpu.memory_space<hbm>>
        tpu.wait_dma2 semaphore(%run_scoped3A : memref<!tpu.dma_semaphore, #tpu.memory_space<semaphore_mem>>) src(%dma_wait3A_25 : memref<632x128xf32, #tpu.memory_space<hbm>>) dst(%dma_wait3A_23 : memref<632x128xf32, #tpu.memory_space<vmem_shared>>)
        tpu.yield
      }) : () -> ()
      %barrier3A = arith.constant 0 : index
      tpu.barrier barrier_id(%barrier3A)
      %scan3A = arith.constant 0 : i32
      %scan3A_10 = arith.constant 0 : i32
      %scan3A_11 = arith.constant 79 : i32
      %scan3A_12 = arith.addi %scan3A_10, %scan3A_11 : i32
      %scan3A_13 = arith.constant 1 : i32
      scf.for %scan3A_20 = %scan3A_10 to %scan3A_12 step %scan3A_13  : i32 {
        %dma_start3A = arith.constant 0 : i32
        %dma_start3A_21 = arith.constant 0 : i32
        %dma_start3A_22 = tpu.memref_slice %arg8[%scan3A_20, %dma_start3A, %dma_start3A_21] : memref<79x1x128xi32, #tpu.memory_space<vmem>> -> memref<1x1x128xi32, #tpu.memory_space<vmem>>
        %dma_start3A_23 = tpu.memref_squeeze %dma_start3A_22 : memref<1x1x128xi32, #tpu.memory_space<vmem>> -> memref<128xi32, #tpu.memory_space<vmem>>
        %dma_start3A_24 = arith.constant 0 : i32
        %dma_start3A_25 = arith.constant 0 : i32
        %dma_start3A_26 = tpu.memref_slice %arg3[%dma_start3A_24, %dma_start3A_25] : memref<10112x128xf32, #tpu.memory_space<hbm>> -> memref<10112x128xf32, #tpu.memory_space<hbm>>
        tpu.enqueue_indirect_dma source(%dma_start3A_26 : memref<10112x128xf32, #tpu.memory_space<hbm>>) target(%arg10 : memref<128x128xf32, #tpu.memory_space<vmem>>) offsets(%dma_start3A_23 : memref<128xi32, #tpu.memory_space<vmem>>) semaphore(%arg12 : memref<!tpu.dma_semaphore, #tpu.memory_space<semaphore_mem>>)
        %dma_wait3A = arith.constant 0 : i32
        %dma_wait3A_27 = arith.constant 0 : i32
        %dma_wait3A_28 = tpu.memref_slice %arg8[%scan3A_20, %dma_wait3A, %dma_wait3A_27] : memref<79x1x128xi32, #tpu.memory_space<vmem>> -> memref<1x1x128xi32, #tpu.memory_space<vmem>>
        %dma_wait3A_29 = tpu.memref_squeeze %dma_wait3A_28 : memref<1x1x128xi32, #tpu.memory_space<vmem>> -> memref<128xi32, #tpu.memory_space<vmem>>
        %dma_wait3A_30 = arith.constant 0 : i32
        %dma_wait3A_31 = arith.constant 0 : i32
        %dma_wait3A_32 = tpu.memref_slice %arg3[%dma_wait3A_30, %dma_wait3A_31] : memref<10112x128xf32, #tpu.memory_space<hbm>> -> memref<10112x128xf32, #tpu.memory_space<hbm>>
        tpu.wait_indirect_dma semaphore(%arg12 : memref<!tpu.dma_semaphore, #tpu.memory_space<semaphore_mem>>) src(%dma_wait3A_32 : memref<10112x128xf32, #tpu.memory_space<hbm>>) dst(%arg10 : memref<128x128xf32, #tpu.memory_space<vmem>>)
        %run_scoped3A = arith.constant 0 : i32
        "tpu.region"() ({
          %run_scoped3A_33 = tpu.sem_alloc : memref<!tpu.dma_semaphore, #tpu.memory_space<semaphore_mem>>
          %dma_start3A_34 = arith.constant 0 : i32
          %dma_start3A_35 = tpu.memref_slice %arg9[%scan3A_20, %run_scoped3A, %dma_start3A_34] : memref<79x1x128xi32, #tpu.memory_space<vmem>> -> memref<1x1x128xi32, #tpu.memory_space<vmem>>
          %dma_start3A_36 = tpu.memref_squeeze %dma_start3A_35 : memref<1x1x128xi32, #tpu.memory_space<vmem>> -> memref<128xi32, #tpu.memory_space<vmem>>
          %dma_start3A_37 = arith.constant 0 : i32
          %dma_start3A_38 = arith.constant 0 : i32
          %dma_start3A_39 = tpu.memref_slice %arg11[%dma_start3A_37, %dma_start3A_38] : memref<10112x128xf32, #tpu.memory_space<vmem_shared>> -> memref<10112x128xf32, #tpu.memory_space<vmem_shared>>
          tpu.enqueue_indirect_dma source(%arg10 : memref<128x128xf32, #tpu.memory_space<vmem>>) target(%dma_start3A_39 : memref<10112x128xf32, #tpu.memory_space<vmem_shared>>) offsets(%dma_start3A_36 : memref<128xi32, #tpu.memory_space<vmem>>) semaphore(%run_scoped3A_33 : memref<!tpu.dma_semaphore, #tpu.memory_space<semaphore_mem>>) {add = true}
          %dma_wait3A_40 = arith.constant 0 : i32
          %dma_wait3A_41 = tpu.memref_slice %arg9[%scan3A_20, %run_scoped3A, %dma_wait3A_40] : memref<79x1x128xi32, #tpu.memory_space<vmem>> -> memref<1x1x128xi32, #tpu.memory_space<vmem>>
          %dma_wait3A_42 = tpu.memref_squeeze %dma_wait3A_41 : memref<1x1x128xi32, #tpu.memory_space<vmem>> -> memref<128xi32, #tpu.memory_space<vmem>>
          %dma_wait3A_43 = arith.constant 0 : i32
          %dma_wait3A_44 = arith.constant 0 : i32
          %dma_wait3A_45 = tpu.memref_slice %arg11[%dma_wait3A_43, %dma_wait3A_44] : memref<10112x128xf32, #tpu.memory_space<vmem_shared>> -> memref<10112x128xf32, #tpu.memory_space<vmem_shared>>
          tpu.wait_indirect_dma semaphore(%run_scoped3A_33 : memref<!tpu.dma_semaphore, #tpu.memory_space<semaphore_mem>>) src(%arg10 : memref<128x128xf32, #tpu.memory_space<vmem>>) dst(%dma_wait3A_45 : memref<10112x128xf32, #tpu.memory_space<vmem_shared>>)
          tpu.yield
        }) : () -> ()
      }
      %scan3A_14 = arith.constant 79 : i32
      %barrier3A_15 = arith.constant 0 : index
      tpu.barrier barrier_id(%barrier3A_15)
      %mul3A_16 = arith.constant 632 : i32
      %mul3A_17 = arith.muli %arg1, %mul3A_16 : i32
      %mul3A_18 = arith.constant 632 : i32
      %mul3A_19 = arith.muli %arg1, %mul3A_18 : i32
      "tpu.region"() ({
        %run_scoped3A = tpu.sem_alloc : memref<!tpu.dma_semaphore, #tpu.memory_space<semaphore_mem>>
        %dma_start3A = arith.constant 0 : i32
        %dma_start3A_20 = tpu.memref_slice %arg7[%mul3A_19, %dma_start3A] : memref<10112x128xf32, #tpu.memory_space<hbm>> -> memref<632x128xf32, #tpu.memory_space<hbm>>
        %dma_start3A_21 = arith.constant 0 : i32
        %dma_start3A_22 = tpu.memref_slice %arg11[%mul3A_17, %dma_start3A_21] : memref<10112x128xf32, #tpu.memory_space<vmem_shared>> -> memref<632x128xf32, #tpu.memory_space<vmem_shared>>
        tpu.enqueue_dma source(%dma_start3A_22 : memref<632x128xf32, #tpu.memory_space<vmem_shared>>) target(%dma_start3A_20 : memref<632x128xf32, #tpu.memory_space<hbm>>) target_semaphore(%run_scoped3A : memref<!tpu.dma_semaphore, #tpu.memory_space<semaphore_mem>>)
        %dma_wait3A = arith.constant 0 : i32
        %dma_wait3A_23 = tpu.memref_slice %arg7[%mul3A_19, %dma_wait3A] : memref<10112x128xf32, #tpu.memory_space<hbm>> -> memref<632x128xf32, #tpu.memory_space<hbm>>
        %dma_wait3A_24 = arith.constant 0 : i32
        %dma_wait3A_25 = tpu.memref_slice %arg11[%mul3A_17, %dma_wait3A_24] : memref<10112x128xf32, #tpu.memory_space<vmem_shared>> -> memref<632x128xf32, #tpu.memory_space<vmem_shared>>
        tpu.wait_dma2 semaphore(%run_scoped3A : memref<!tpu.dma_semaphore, #tpu.memory_space<semaphore_mem>>) src(%dma_wait3A_25 : memref<632x128xf32, #tpu.memory_space<vmem_shared>>) dst(%dma_wait3A_23 : memref<632x128xf32, #tpu.memory_space<hbm>>)
        tpu.yield
      }) : () -> ()
    } else {
    }
    return
  }
}

module attributes {stable_mosaic.version = 14 : i64} {
  func.func @_tc1_body(%arg0: i32, %arg1: memref<1264x256xf32, #tpu.memory_space<vmem>>, %arg2: memref<256x256xf32, #tpu.memory_space<vmem>>, %arg3: memref<1x256xf32, #tpu.memory_space<vmem>>, %arg4: memref<256x256xf32, #tpu.memory_space<vmem>>, %arg5: memref<2x1264x128xf32, #tpu.memory_space<vmem>>, %arg6: memref<1264x128xf32, #tpu.memory_space<vmem>>, %arg7: memref<1264x128xf32, #tpu.memory_space<vmem>>) attributes {dimension_semantics = [#tpu.dimension_semantics<arbitrary>], iteration_bounds = array<i64: 8>, scalar_prefetch = 0 : i64, scratch_operands = 0 : i64, tpu.core_type = #tpu.core_type<tc>, window_params = [{transform_indices = @transform_0, window_bounds = array<i64: 1264, 256>}, {pipeline_mode = #tpu.pipeline_mode<synchronous>, transform_indices = @transform_1, window_bounds = array<i64: 256, 256>}, {pipeline_mode = #tpu.pipeline_mode<synchronous>, transform_indices = @transform_2, window_bounds = array<i64: 1, 256>}, {pipeline_mode = #tpu.pipeline_mode<synchronous>, transform_indices = @transform_3, window_bounds = array<i64: 256, 256>}, {transform_indices = @transform_4, window_bounds = array<i64: 2, 1264, 128>}, {transform_indices = @transform_5, window_bounds = array<i64: 1264, 128>}, {transform_indices = @transform_6, window_bounds = array<i64: 1264, 128>}]} {
    %get3A = arith.constant 0 : index
    %get3A_0 = arith.constant 0 : index
    %get3A_1 = vector.load %arg1[%get3A, %get3A_0] : memref<1264x256xf32, #tpu.memory_space<vmem>>, vector<1264x256xf32>
    %get3A_2 = arith.constant 0 : index
    %get3A_3 = arith.constant 0 : index
    %get3A_4 = vector.load %arg2[%get3A_2, %get3A_3] : memref<256x256xf32, #tpu.memory_space<vmem>>, vector<256x256xf32>
    %dot_general3A = arith.constant dense<0.000000e+00> : vector<1264x256xf32>
    %dot_general3A_5 = tpu.matmul %get3A_1, %get3A_4, %dot_general3A {dimension_numbers = #tpu.dot_dimension_numbers<[1], [0], [0], [1], [0, 0, 1, 1], [], []>, precision = #tpu.contract_precision<fp32>, transpose_lhs_hint = false} : vector<1264x256xf32>, vector<256x256xf32>, vector<1264x256xf32> -> vector<1264x256xf32>
    %get3A_6 = arith.constant 0 : index
    %get3A_7 = arith.constant 0 : index
    %get3A_8 = vector.load %arg3[%get3A_6, %get3A_7] : memref<1x256xf32, #tpu.memory_space<vmem>>, vector<1x256xf32>
    %add3A = vector.broadcast %get3A_8 : vector<1x256xf32> to vector<1264x256xf32>
    %add3A_9 = arith.addf %dot_general3A_5, %add3A : vector<1264x256xf32>
    %gt3A = arith.constant 0.000000e+00 : f32
    %gt3A_10 = vector.broadcast %gt3A : f32 to vector<1264x256xf32>
    %gt3A_11 = arith.cmpf ogt, %add3A_9, %gt3A_10 : vector<1264x256xf32>
    %mul3A = arith.constant 0.00999999977 : f32
    %mul3A_12 = vector.broadcast %mul3A : f32 to vector<1264x256xf32>
    %mul3A_13 = arith.mulf %mul3A_12, %add3A_9 : vector<1264x256xf32>
    %select_n3A = arith.select %gt3A_11, %add3A_9, %mul3A_13 : vector<1264x256xi1>, vector<1264x256xf32>
    %get3A_14 = arith.constant 0 : index
    %get3A_15 = arith.constant 0 : index
    %get3A_16 = arith.constant 0 : index
    %get3A_17 = vector.load %arg5[%get3A_14, %get3A_15, %get3A_16] : memref<2x1264x128xf32, #tpu.memory_space<vmem>>, vector<1x1264x1xf32>
    %get3A_18 = vector.shape_cast %get3A_17 : vector<1x1264x1xf32> to vector<1264x1xf32>
    %get3A_19 = arith.constant 1 : index
    %get3A_20 = arith.constant 0 : index
    %get3A_21 = arith.constant 0 : index
    %get3A_22 = vector.load %arg5[%get3A_19, %get3A_20, %get3A_21] : memref<2x1264x128xf32, #tpu.memory_space<vmem>>, vector<1x1264x1xf32>
    %get3A_23 = vector.shape_cast %get3A_22 : vector<1x1264x1xf32> to vector<1264x1xf32>
    %add3A_24 = arith.addf %get3A_18, %get3A_23 : vector<1264x1xf32>
    %mul3A_25 = arith.constant 5.000000e-01 : f32
    %mul3A_26 = vector.broadcast %mul3A_25 : f32 to vector<1264x1xf32>
    %mul3A_27 = arith.mulf %mul3A_26, %add3A_24 : vector<1264x1xf32>
    %add3A_28 = arith.constant 1.000000e+00 : f32
    %add3A_29 = vector.broadcast %add3A_28 : f32 to vector<1264x1xf32>
    %add3A_30 = arith.addf %mul3A_27, %add3A_29 : vector<1264x1xf32>
    %rsqrt3A = math.rsqrt %add3A_30 : vector<1264x1xf32>
    %get3A_31 = arith.constant 0 : index
    %get3A_32 = arith.constant 0 : index
    %get3A_33 = vector.load %arg4[%get3A_31, %get3A_32] : memref<256x256xf32, #tpu.memory_space<vmem>>, vector<256x256xf32>
    %dot_general3A_34 = arith.constant dense<0.000000e+00> : vector<1264x256xf32>
    %dot_general3A_35 = tpu.matmul %select_n3A, %get3A_33, %dot_general3A_34 {dimension_numbers = #tpu.dot_dimension_numbers<[1], [0], [0], [1], [0, 0, 1, 1], [], []>, precision = #tpu.contract_precision<fp32>, transpose_lhs_hint = false} : vector<1264x256xf32>, vector<256x256xf32>, vector<1264x256xf32> -> vector<1264x256xf32>
    %mul3A_36 = vector.broadcast %rsqrt3A : vector<1264x1xf32> to vector<1264x256xf32>
    %mul3A_37 = arith.mulf %mul3A_36, %dot_general3A_35 : vector<1264x256xf32>
    %slice3A = vector.extract_strided_slice %mul3A_37 {offsets = [0, 0], sizes = [1264, 128], strides = [1, 1]} : vector<1264x256xf32> to vector<1264x128xf32>
    %swap3A = arith.constant 0 : index
    %swap3A_38 = arith.constant 0 : index
    %swap3A_39 = vector.load %arg6[%swap3A, %swap3A_38] : memref<1264x128xf32, #tpu.memory_space<vmem>>, vector<1264x128xf32>
    tpu.vector_store %arg6[%swap3A, %swap3A_38], %slice3A {strides = array<i32>} : memref<1264x128xf32, #tpu.memory_space<vmem>>, vector<1264x128xf32>,
    %slice3A_40 = vector.extract_strided_slice %mul3A_37 {offsets = [0, 128], sizes = [1264, 128], strides = [1, 1]} : vector<1264x256xf32> to vector<1264x128xf32>
    %swap3A_41 = arith.constant 0 : index
    %swap3A_42 = arith.constant 0 : index
    %swap3A_43 = vector.load %arg7[%swap3A_41, %swap3A_42] : memref<1264x128xf32, #tpu.memory_space<vmem>>, vector<1264x128xf32>
    tpu.vector_store %arg7[%swap3A_41, %swap3A_42], %slice3A_40 {strides = array<i32>} : memref<1264x128xf32, #tpu.memory_space<vmem>>, vector<1264x128xf32>,
    return
  }
  func.func @transform_0(%arg0: i32) -> (i32, i32) {
    %c0_i32 = arith.constant 0 : i32
    %c0_i32_0 = arith.constant 0 : i32
    return %arg0, %c0_i32 : i32, i32
  }
  func.func @transform_1(%arg0: i32) -> (i32, i32) {
    %c0_i32 = arith.constant 0 : i32
    %c0_i32_0 = arith.constant 0 : i32
    %c0_i32_1 = arith.constant 0 : i32
    return %c0_i32, %c0_i32_0 : i32, i32
  }
  func.func @transform_2(%arg0: i32) -> (i32, i32) {
    %c0_i32 = arith.constant 0 : i32
    %c0_i32_0 = arith.constant 0 : i32
    %c0_i32_1 = arith.constant 0 : i32
    return %c0_i32, %c0_i32_0 : i32, i32
  }
  func.func @transform_3(%arg0: i32) -> (i32, i32) {
    %c0_i32 = arith.constant 0 : i32
    %c0_i32_0 = arith.constant 0 : i32
    %c0_i32_1 = arith.constant 0 : i32
    return %c0_i32, %c0_i32_0 : i32, i32
  }
  func.func @transform_4(%arg0: i32) -> (i32, i32, i32) {
    %c0_i32 = arith.constant 0 : i32
    %c0_i32_0 = arith.constant 0 : i32
    %c0_i32_1 = arith.constant 0 : i32
    return %c0_i32, %arg0, %c0_i32_0 : i32, i32, i32
  }
  func.func @transform_5(%arg0: i32) -> (i32, i32) {
    %c0_i32 = arith.constant 0 : i32
    %c0_i32_0 = arith.constant 0 : i32
    return %arg0, %c0_i32 : i32, i32
  }
  func.func @transform_6(%arg0: i32) -> (i32, i32) {
    %c0_i32 = arith.constant 0 : i32
    %c0_i32_0 = arith.constant 0 : i32
    return %arg0, %c0_i32 : i32, i32
  }
}

module attributes {stable_mosaic.version = 14 : i64} {
  func.func @_tc3_body(%arg0: i32, %arg1: memref<1264x128xf32, #tpu.memory_space<vmem>>, %arg2: memref<1264x128xf32, #tpu.memory_space<vmem>>, %arg3: memref<2x1264x128xf32, #tpu.memory_space<vmem>>, %arg4: memref<1x256xf32, #tpu.memory_space<vmem>>, %arg5: memref<1x256xf32, #tpu.memory_space<vmem>>, %arg6: memref<1x1xf32, #tpu.memory_space<vmem>>, %arg7: memref<1264x1xf32, #tpu.memory_space<vmem>>) attributes {dimension_semantics = [#tpu.dimension_semantics<arbitrary>], iteration_bounds = array<i64: 8>, scalar_prefetch = 0 : i64, scratch_operands = 0 : i64, tpu.core_type = #tpu.core_type<tc>, window_params = [{transform_indices = @transform_0, window_bounds = array<i64: 1264, 128>}, {transform_indices = @transform_1, window_bounds = array<i64: 1264, 128>}, {transform_indices = @transform_2, window_bounds = array<i64: 2, 1264, 128>}, {pipeline_mode = #tpu.pipeline_mode<synchronous>, transform_indices = @transform_3, window_bounds = array<i64: 1, 256>}, {pipeline_mode = #tpu.pipeline_mode<synchronous>, transform_indices = @transform_4, window_bounds = array<i64: 1, 256>}, {pipeline_mode = #tpu.pipeline_mode<synchronous>, transform_indices = @transform_5, window_bounds = array<i64: 1, 1>}, {transform_indices = @transform_6, window_bounds = array<i64: 1264, 1>}]} {
    %get3A = arith.constant 0 : index
    %get3A_0 = arith.constant 0 : index
    %get3A_1 = vector.load %arg1[%get3A, %get3A_0] : memref<1264x128xf32, #tpu.memory_space<vmem>>, vector<1264x128xf32>
    %get3A_2 = arith.constant 0 : index
    %get3A_3 = arith.constant 0 : index
    %get3A_4 = vector.load %arg2[%get3A_2, %get3A_3] : memref<1264x128xf32, #tpu.memory_space<vmem>>, vector<1264x128xf32>
    %concatenate3A = tpu.concatenate %get3A_1, %get3A_4 in 1 : vector<1264x128xf32>, vector<1264x128xf32> -> vector<1264x256xf32>
    %get3A_5 = arith.constant 0 : index
    %get3A_6 = arith.constant 0 : index
    %get3A_7 = arith.constant 0 : index
    %get3A_8 = vector.load %arg3[%get3A_5, %get3A_6, %get3A_7] : memref<2x1264x128xf32, #tpu.memory_space<vmem>>, vector<1x1264x1xf32>
    %get3A_9 = vector.shape_cast %get3A_8 : vector<1x1264x1xf32> to vector<1264x1xf32>
    %get3A_10 = arith.constant 1 : index
    %get3A_11 = arith.constant 0 : index
    %get3A_12 = arith.constant 0 : index
    %get3A_13 = vector.load %arg3[%get3A_10, %get3A_11, %get3A_12] : memref<2x1264x128xf32, #tpu.memory_space<vmem>>, vector<1x1264x1xf32>
    %get3A_14 = vector.shape_cast %get3A_13 : vector<1x1264x1xf32> to vector<1264x1xf32>
    %add3A = arith.addf %get3A_9, %get3A_14 : vector<1264x1xf32>
    %mul3A = arith.constant 5.000000e-01 : f32
    %mul3A_15 = vector.broadcast %mul3A : f32 to vector<1264x1xf32>
    %mul3A_16 = arith.mulf %mul3A_15, %add3A : vector<1264x1xf32>
    %add3A_17 = arith.constant 1.000000e+00 : f32
    %add3A_18 = vector.broadcast %add3A_17 : f32 to vector<1264x1xf32>
    %add3A_19 = arith.addf %mul3A_16, %add3A_18 : vector<1264x1xf32>
    %rsqrt3A = math.rsqrt %add3A_19 : vector<1264x1xf32>
    %mul3A_20 = vector.broadcast %rsqrt3A : vector<1264x1xf32> to vector<1264x256xf32>
    %mul3A_21 = arith.mulf %mul3A_20, %concatenate3A : vector<1264x256xf32>
    %get3A_22 = arith.constant 0 : index
    %get3A_23 = arith.constant 0 : index
    %get3A_24 = vector.load %arg4[%get3A_22, %get3A_23] : memref<1x256xf32, #tpu.memory_space<vmem>>, vector<1x256xf32>
    %add3A_25 = vector.broadcast %get3A_24 : vector<1x256xf32> to vector<1264x256xf32>
    %add3A_26 = arith.addf %mul3A_21, %add3A_25 : vector<1264x256xf32>
    %gt3A = arith.constant 0.000000e+00 : f32
    %gt3A_27 = vector.broadcast %gt3A : f32 to vector<1264x256xf32>
    %gt3A_28 = arith.cmpf ogt, %add3A_26, %gt3A_27 : vector<1264x256xf32>
    %mul3A_29 = arith.constant 0.00999999977 : f32
    %mul3A_30 = vector.broadcast %mul3A_29 : f32 to vector<1264x256xf32>
    %mul3A_31 = arith.mulf %mul3A_30, %add3A_26 : vector<1264x256xf32>
    %select_n3A = arith.select %gt3A_28, %add3A_26, %mul3A_31 : vector<1264x256xi1>, vector<1264x256xf32>
    %get3A_32 = arith.constant 0 : index
    %get3A_33 = arith.constant 0 : index
    %get3A_34 = vector.load %arg5[%get3A_32, %get3A_33] : memref<1x256xf32, #tpu.memory_space<vmem>>, vector<1x256xf32>
    %mul3A_35 = vector.broadcast %get3A_34 : vector<1x256xf32> to vector<1264x256xf32>
    %mul3A_36 = arith.mulf %select_n3A, %mul3A_35 : vector<1264x256xf32>
    %reduce_sum3A = arith.constant dense<0.000000e+00> : vector<1264xf32>
    %reduce_sum3A_37 = vector.multi_reduction <add>, %mul3A_36, %reduce_sum3A [1] : vector<1264x256xf32> to vector<1264xf32>
    %broadcast_in_dim3A = vector.shape_cast %reduce_sum3A_37 : vector<1264xf32> to vector<1264x1xf32>
    %get3A_38 = arith.constant 0 : index
    %get3A_39 = arith.constant 0 : index
    %get3A_40 = vector.load %arg6[%get3A_38, %get3A_39] : memref<1x1xf32, #tpu.memory_space<vmem>>, vector<1x1xf32>
    %add3A_41 = vector.broadcast %get3A_40 : vector<1x1xf32> to vector<1264x1xf32>
    %add3A_42 = arith.addf %broadcast_in_dim3A, %add3A_41 : vector<1264x1xf32>
    %swap3A = arith.constant 0 : index
    %swap3A_43 = arith.constant 0 : index
    %swap3A_44 = vector.load %arg7[%swap3A, %swap3A_43] : memref<1264x1xf32, #tpu.memory_space<vmem>>, vector<1264x1xf32>
    tpu.vector_store %arg7[%swap3A, %swap3A_43], %add3A_42 {strides = array<i32>} : memref<1264x1xf32, #tpu.memory_space<vmem>>, vector<1264x1xf32>,
    return
  }
  func.func @transform_0(%arg0: i32) -> (i32, i32) {
    %c0_i32 = arith.constant 0 : i32
    %c0_i32_0 = arith.constant 0 : i32
    return %arg0, %c0_i32 : i32, i32
  }
  func.func @transform_1(%arg0: i32) -> (i32, i32) {
    %c0_i32 = arith.constant 0 : i32
    %c0_i32_0 = arith.constant 0 : i32
    return %arg0, %c0_i32 : i32, i32
  }
  func.func @transform_2(%arg0: i32) -> (i32, i32, i32) {
    %c0_i32 = arith.constant 0 : i32
    %c0_i32_0 = arith.constant 0 : i32
    %c0_i32_1 = arith.constant 0 : i32
    return %c0_i32, %arg0, %c0_i32_0 : i32, i32, i32
  }
  func.func @transform_3(%arg0: i32) -> (i32, i32) {
    %c0_i32 = arith.constant 0 : i32
    %c0_i32_0 = arith.constant 0 : i32
    %c0_i32_1 = arith.constant 0 : i32
    return %c0_i32, %c0_i32_0 : i32, i32
  }
  func.func @transform_4(%arg0: i32) -> (i32, i32) {
    %c0_i32 = arith.constant 0 : i32
    %c0_i32_0 = arith.constant 0 : i32
    %c0_i32_1 = arith.constant 0 : i32
    return %c0_i32, %c0_i32_0 : i32, i32
  }
  func.func @transform_5(%arg0: i32) -> (i32, i32) {
    %c0_i32 = arith.constant 0 : i32
    %c0_i32_0 = arith.constant 0 : i32
    %c0_i32_1 = arith.constant 0 : i32
    return %c0_i32, %c0_i32_0 : i32, i32
  }
  func.func @transform_6(%arg0: i32) -> (i32, i32) {
    %c0_i32 = arith.constant 0 : i32
    %c0_i32_0 = arith.constant 0 : i32
    return %arg0, %c0_i32 : i32, i32
  }
}

module attributes {stable_mosaic.version = 14 : i64} {
  func.func @_tc_mid_body(%arg0: i32, %arg1: memref<1264x128xf32, #tpu.memory_space<vmem>>, %arg2: memref<1264x128xf32, #tpu.memory_space<vmem>>, %arg3: memref<2x1264x128xf32, #tpu.memory_space<vmem>>, %arg4: memref<1x256xf32, #tpu.memory_space<vmem>>, %arg5: memref<256x256xf32, #tpu.memory_space<vmem>>, %arg6: memref<1264x128xf32, #tpu.memory_space<vmem>>, %arg7: memref<1264x128xf32, #tpu.memory_space<vmem>>) attributes {dimension_semantics = [#tpu.dimension_semantics<arbitrary>], iteration_bounds = array<i64: 8>, scalar_prefetch = 0 : i64, scratch_operands = 0 : i64, tpu.core_type = #tpu.core_type<tc>, window_params = [{transform_indices = @transform_0, window_bounds = array<i64: 1264, 128>}, {transform_indices = @transform_1, window_bounds = array<i64: 1264, 128>}, {transform_indices = @transform_2, window_bounds = array<i64: 2, 1264, 128>}, {pipeline_mode = #tpu.pipeline_mode<synchronous>, transform_indices = @transform_3, window_bounds = array<i64: 1, 256>}, {pipeline_mode = #tpu.pipeline_mode<synchronous>, transform_indices = @transform_4, window_bounds = array<i64: 256, 256>}, {transform_indices = @transform_5, window_bounds = array<i64: 1264, 128>}, {transform_indices = @transform_6, window_bounds = array<i64: 1264, 128>}]} {
    %get3A = arith.constant 0 : index
    %get3A_0 = arith.constant 0 : index
    %get3A_1 = vector.load %arg1[%get3A, %get3A_0] : memref<1264x128xf32, #tpu.memory_space<vmem>>, vector<1264x128xf32>
    %get3A_2 = arith.constant 0 : index
    %get3A_3 = arith.constant 0 : index
    %get3A_4 = vector.load %arg2[%get3A_2, %get3A_3] : memref<1264x128xf32, #tpu.memory_space<vmem>>, vector<1264x128xf32>
    %concatenate3A = tpu.concatenate %get3A_1, %get3A_4 in 1 : vector<1264x128xf32>, vector<1264x128xf32> -> vector<1264x256xf32>
    %get3A_5 = arith.constant 0 : index
    %get3A_6 = arith.constant 0 : index
    %get3A_7 = arith.constant 0 : index
    %get3A_8 = vector.load %arg3[%get3A_5, %get3A_6, %get3A_7] : memref<2x1264x128xf32, #tpu.memory_space<vmem>>, vector<1x1264x1xf32>
    %get3A_9 = vector.shape_cast %get3A_8 : vector<1x1264x1xf32> to vector<1264x1xf32>
    %get3A_10 = arith.constant 1 : index
    %get3A_11 = arith.constant 0 : index
    %get3A_12 = arith.constant 0 : index
    %get3A_13 = vector.load %arg3[%get3A_10, %get3A_11, %get3A_12] : memref<2x1264x128xf32, #tpu.memory_space<vmem>>, vector<1x1264x1xf32>
    %get3A_14 = vector.shape_cast %get3A_13 : vector<1x1264x1xf32> to vector<1264x1xf32>
    %add3A = arith.addf %get3A_9, %get3A_14 : vector<1264x1xf32>
    %mul3A = arith.constant 5.000000e-01 : f32
    %mul3A_15 = vector.broadcast %mul3A : f32 to vector<1264x1xf32>
    %mul3A_16 = arith.mulf %mul3A_15, %add3A : vector<1264x1xf32>
    %add3A_17 = arith.constant 1.000000e+00 : f32
    %add3A_18 = vector.broadcast %add3A_17 : f32 to vector<1264x1xf32>
    %add3A_19 = arith.addf %mul3A_16, %add3A_18 : vector<1264x1xf32>
    %rsqrt3A = math.rsqrt %add3A_19 : vector<1264x1xf32>
    %mul3A_20 = vector.broadcast %rsqrt3A : vector<1264x1xf32> to vector<1264x256xf32>
    %mul3A_21 = arith.mulf %mul3A_20, %concatenate3A : vector<1264x256xf32>
    %get3A_22 = arith.constant 0 : index
    %get3A_23 = arith.constant 0 : index
    %get3A_24 = vector.load %arg4[%get3A_22, %get3A_23] : memref<1x256xf32, #tpu.memory_space<vmem>>, vector<1x256xf32>
    %add3A_25 = vector.broadcast %get3A_24 : vector<1x256xf32> to vector<1264x256xf32>
    %add3A_26 = arith.addf %mul3A_21, %add3A_25 : vector<1264x256xf32>
    %gt3A = arith.constant 0.000000e+00 : f32
    %gt3A_27 = vector.broadcast %gt3A : f32 to vector<1264x256xf32>
    %gt3A_28 = arith.cmpf ogt, %add3A_26, %gt3A_27 : vector<1264x256xf32>
    %mul3A_29 = arith.constant 0.00999999977 : f32
    %mul3A_30 = vector.broadcast %mul3A_29 : f32 to vector<1264x256xf32>
    %mul3A_31 = arith.mulf %mul3A_30, %add3A_26 : vector<1264x256xf32>
    %select_n3A = arith.select %gt3A_28, %add3A_26, %mul3A_31 : vector<1264x256xi1>, vector<1264x256xf32>
    %get3A_32 = arith.constant 0 : index
    %get3A_33 = arith.constant 0 : index
    %get3A_34 = vector.load %arg5[%get3A_32, %get3A_33] : memref<256x256xf32, #tpu.memory_space<vmem>>, vector<256x256xf32>
    %dot_general3A = arith.constant dense<0.000000e+00> : vector<1264x256xf32>
    %dot_general3A_35 = tpu.matmul %select_n3A, %get3A_34, %dot_general3A {dimension_numbers = #tpu.dot_dimension_numbers<[1], [0], [0], [1], [0, 0, 1, 1], [], []>, precision = #tpu.contract_precision<fp32>, transpose_lhs_hint = false} : vector<1264x256xf32>, vector<256x256xf32>, vector<1264x256xf32> -> vector<1264x256xf32>
    %mul3A_36 = vector.broadcast %rsqrt3A : vector<1264x1xf32> to vector<1264x256xf32>
    %mul3A_37 = arith.mulf %mul3A_36, %dot_general3A_35 : vector<1264x256xf32>
    %slice3A = vector.extract_strided_slice %mul3A_37 {offsets = [0, 0], sizes = [1264, 128], strides = [1, 1]} : vector<1264x256xf32> to vector<1264x128xf32>
    %swap3A = arith.constant 0 : index
    %swap3A_38 = arith.constant 0 : index
    %swap3A_39 = vector.load %arg6[%swap3A, %swap3A_38] : memref<1264x128xf32, #tpu.memory_space<vmem>>, vector<1264x128xf32>
    tpu.vector_store %arg6[%swap3A, %swap3A_38], %slice3A {strides = array<i32>} : memref<1264x128xf32, #tpu.memory_space<vmem>>, vector<1264x128xf32>,
    %slice3A_40 = vector.extract_strided_slice %mul3A_37 {offsets = [0, 128], sizes = [1264, 128], strides = [1, 1]} : vector<1264x256xf32> to vector<1264x128xf32>
    %swap3A_41 = arith.constant 0 : index
    %swap3A_42 = arith.constant 0 : index
    %swap3A_43 = vector.load %arg7[%swap3A_41, %swap3A_42] : memref<1264x128xf32, #tpu.memory_space<vmem>>, vector<1264x128xf32>
    tpu.vector_store %arg7[%swap3A_41, %swap3A_42], %slice3A_40 {strides = array<i32>} : memref<1264x128xf32, #tpu.memory_space<vmem>>, vector<1264x128xf32>,
    return
  }
  func.func @transform_0(%arg0: i32) -> (i32, i32) {
    %c0_i32 = arith.constant 0 : i32
    %c0_i32_0 = arith.constant 0 : i32
    return %arg0, %c0_i32 : i32, i32
  }
  func.func @transform_1(%arg0: i32) -> (i32, i32) {
    %c0_i32 = arith.constant 0 : i32
    %c0_i32_0 = arith.constant 0 : i32
    return %arg0, %c0_i32 : i32, i32
  }
  func.func @transform_2(%arg0: i32) -> (i32, i32, i32) {
    %c0_i32 = arith.constant 0 : i32
    %c0_i32_0 = arith.constant 0 : i32
    %c0_i32_1 = arith.constant 0 : i32
    return %c0_i32, %arg0, %c0_i32_0 : i32, i32, i32
  }
  func.func @transform_3(%arg0: i32) -> (i32, i32) {
    %c0_i32 = arith.constant 0 : i32
    %c0_i32_0 = arith.constant 0 : i32
    %c0_i32_1 = arith.constant 0 : i32
    return %c0_i32, %c0_i32_0 : i32, i32
  }
  func.func @transform_4(%arg0: i32) -> (i32, i32) {
    %c0_i32 = arith.constant 0 : i32
    %c0_i32_0 = arith.constant 0 : i32
    %c0_i32_1 = arith.constant 0 : i32
    return %c0_i32, %c0_i32_0 : i32, i32
  }
  func.func @transform_5(%arg0: i32) -> (i32, i32) {
    %c0_i32 = arith.constant 0 : i32
    %c0_i32_0 = arith.constant 0 : i32
    return %arg0, %c0_i32 : i32, i32
  }
  func.func @transform_6(%arg0: i32) -> (i32, i32) {
    %c0_i32 = arith.constant 0 : i32
    %c0_i32_0 = arith.constant 0 : i32
    return %arg0, %c0_i32 : i32, i32
  }
}

</mosaic_0001>

<sc_bundles>
// kernel: kernel.11.cloned.1.call-start
scs
__scs_entry_jumppad:
0x0: {  	(pc) =	sbr.rel $0x88, $3  }
0x1: {  	(tag) =	ssettag $0x0;
	lr =	simm.s32 $0x1  }
0x2: {  	[smem:$0x3F97] =	sst lr;
	_ =	strace $0xD0000000  }
0x3: {  	_ = 	snop  }
0x4: {  	_ = 	snop  }
0x5: {  	_ = 	snop  }
0x6: {  	_ = 	snop  }
0x7: {  	_ = 	snop  }
__scs_overlays_trampoline_lowered:
0x8: {  	[smem:$0x3FA6] =	sst s0  }
0x9: {  	[smem:$0x3FA7] =	sst s1  }
0xa: {  	[smem:$0x3FA8] =	sst s2  }
0xb: {  	[smem:$0x3FA9] =	sst s3  }
0xc: {  	[smem:$0x3FAA] =	sst s4  }
0xd: {  	[smem:$0x3FAB] =	sst s5  }
0xe: {  	[smem:$0x3FAC] =	sst s6  }
0xf: {  	[smem:$0x3FAD] =	sst s7  }
0x10: {  	[smem:$0x3FAE] =	sst s8  }
0x11: {  	[smem:$0x3FAF] =	sst s9;
	s0 =	simm.s32 @!p0 $0x0  }
0x12: {  	s1 =	sld [smem:$0x3F95];
	s0 =	simm.s32 @p0 $0x1  }
0x13: {  	[smem:$0x3FB0] =	sst s0;
	s0 =	simm.s32 @!p1 $0x0  }
0x14: {  	s2 =	sld [smem:$0x3F94];
	s0 =	simm.s32 @p1 $0x1  }
0x15: {  	[smem:$0x3FB1] =	sst s0;
	s0 =	simm.s32 @!p2 $0x0  }
0x16: {  	s3 =	sld [smem:$0x3FDB];
	s0 =	simm.s32 @p2 $0x1  }
0x17: {  	s4 =	simm.s32 $0x1BF5;
	[smem:$0x3FB3] =	sst s0  }
0x18: {  	s0 =	sld [smem:$0x3F96];
	_ =	swait.ge [sflag:s4], $0x0  }
0x19: {  	s7 =	sld [smem:$0x3F97]  }
0x1a: {  	s8 =	sadd.s32 $0xFFFFE003, lr  }
0x1b: {  	s9 =	sadd.s32 $0xFFFFFEF7, lr;
	s5 =	simm.s32 $0xFFFFFFFF;
	p2 =	slt.u32 s8, $0xFFFFF086  }
0x1c: {  	p1 =	slt.u32 s9, $0xF7A;
	s5 =	simm.s32 @!p2 $0x0  }
0x1d: {  	s5 =	simm.s32 @p1 $0x1;
	p0 =	seq.s32 s7, s2  }
0x1e: {  	s7 =	smul.u32 @!p0 $0xF7A, s2;
	p2 =	seq.s32 @!p0 s5, $0x0  }
0x1f: {  	s9 =	smul.u32 $0xF7A, s1;
	s8 =	simm.s32 @!p0 $0x1BF5;
	p2 =	por !p2, p0  }
0x20: {  	[sflag:s8] =	ssyncset.s32 @!p0 $0xFFFFF086;
	s6 =	sadd.s32 @!p0 s3, s7;
	s7 =	simm.s32 @!p0 $0x108  }
0x21: {  	s3 =	sadd.s32 s3, s9;
	s6 =	sadd.s32 @!p0 $0x88, s6;
	s7 =	simm.s32 @p2 $0x1082  }
0x22: {  	[simem:s7], [sflag:s8] =	dma.local @!p0 [hbm:s6], $0xF7A  }
0x23: {  	s9 =	sor.u32 $0xD0000000, s2;
	s6 =	simm.s32 $0x108;
	_ =	swait.ge @!p0 [sflag:s8], $0x0  }
0x24: {  	s3 =	sadd.s32 $0x88, s3;
	s6 =	simm.s32 @!p1 $0x1082;
	[sflag:s4] =	ssyncset.s32 $0xFFFFF086  }
0x25: {  	[simem:s6], [sflag:s4] =	dma.local [hbm:s3], $0xF7A  }
0x26: {  	[smem:$0x3F97] =	sst s1;
	(tag) =	ssettag s2;
	_ =	strace s9  }
0x27: {  	s1 =	sld [smem:$0x3FA7]  }
0x28: {  	s2 =	sld [smem:$0x3FA8]  }
0x29: {  	s4 =	sld [smem:$0x3FAA]  }
0x2a: {  	p0 =	seq.s32 s5, $0x0;
	s5 =	sld [smem:$0x3FAB]  }
0x2b: {  	s6 =	sld [smem:$0x3FAC]  }
0x2c: {  	s7 =	sld [smem:$0x3FAD]  }
0x2d: {  	s3 =	simm.s32 $0x108;
	s8 =	sld [smem:$0x3FAE]  }
0x2e: {  	s3 =	simm.s32 @!p0 $0x1082;
	s9 =	sld [smem:$0x3FAF]  }
0x2f: {  	lr =	sadd.s32 s0, s3;
	s0 =	sld [smem:$0x3FA6]  }
0x30: {  	s3 =	sld [smem:$0x3FA9]  }
0x31: {  	[smem:$0x3FB2] =	sst s10  }
0x32: {  	s10 =	sld [smem:$0x3FB0];
	_ =	sdelay $0x3  }
0x33: {  	p0 =	seq.s32 s10, $0x1;
	s10 =	sld [smem:$0x3FB2];
	_ =	sdelay $0x3  }
0x34: {  	[smem:$0x3FB2] =	sst s10  }
0x35: {  	s10 =	sld [smem:$0x3FB1];
	_ =	sdelay $0x3  }
0x36: {  	p1 =	seq.s32 s10, $0x1;
	s10 =	sld [smem:$0x3FB2];
	_ =	sdelay $0x3  }
0x37: {  	[smem:$0x3FB2] =	sst s10  }
0x38: {  	s10 =	sld [smem:$0x3FB3]  }
0x39: {  	_ = 	snop;
	(pc) =	sbr.ind lr, $3  }
0x3a: {  	_ = 	snop  }
0x3b: {  	_ = 	snop  }
0x3c: {  	p2 =	seq.s32 s10, $0x1;
	s10 =	sld [smem:$0x3FB2]  }
0x3d: {  	_ =	shalt  }
0x3e: {  	_ =	shalt  }
0x3f: {  	_ =	shalt  }
0x40: {  	_ =	shalt  }
0x41: {  	_ =	shalt  }
0x42: {  	_ =	shalt  }
0x43: {  	_ =	shalt  }
0x44: {  	_ =	shalt  }
0x45: {  	_ =	shalt  }
0x46: {  	_ =	shalt  }
0x47: {  	_ =	shalt  }
0x48: {  	_ =	shalt  }
0x49: {  	_ =	shalt  }
0x4a: {  	_ =	shalt  }
0x4b: {  	_ =	shalt  }
0x4c: {  	_ =	shalt  }
0x4d: {  	_ =	shalt  }
0x4e: {  	_ =	shalt  }
0x4f: {  	_ =	shalt  }
0x50: {  	_ =	shalt  }
0x51: {  	_ =	shalt  }
0x52: {  	_ =	shalt  }
0x53: {  	_ =	shalt  }
0x54: {  	_ =	shalt  }
0x55: {  	_ =	shalt  }
0x56: {  	_ =	shalt  }
0x57: {  	_ =	shalt  }
0x58: {  	_ =	shalt  }
0x59: {  	_ =	shalt  }
0x5a: {  	_ =	shalt  }
0x5b: {  	_ =	shalt  }
0x5c: {  	_ =	shalt  }
0x5d: {  	_ =	shalt  }
0x5e: {  	_ =	shalt  }
0x5f: {  	_ =	shalt  }
0x60: {  	_ =	shalt  }
0x61: {  	_ =	shalt  }
0x62: {  	_ =	shalt  }
0x63: {  	_ =	shalt  }
0x64: {  	_ =	shalt  }
0x65: {  	_ =	shalt  }
0x66: {  	_ =	shalt  }
0x67: {  	_ =	shalt  }
0x68: {  	_ =	shalt  }
0x69: {  	_ =	shalt  }
0x6a: {  	_ =	shalt  }
0x6b: {  	_ =	shalt  }
0x6c: {  	_ =	shalt  }
0x6d: {  	_ =	shalt  }
0x6e: {  	_ =	shalt  }
0x6f: {  	_ =	shalt  }
0x70: {  	_ =	shalt  }
0x71: {  	_ =	shalt  }
0x72: {  	_ =	shalt  }
0x73: {  	_ =	shalt  }
0x74: {  	_ =	shalt  }
0x75: {  	_ =	shalt  }
0x76: {  	_ =	shalt  }
0x77: {  	_ =	shalt  }
0x78: {  	_ =	shalt  }
0x79: {  	_ =	shalt  }
0x7a: {  	_ =	shalt  }
0x7b: {  	_ =	shalt  }
0x7c: {  	_ =	shalt  }
0x7d: {  	_ =	shalt  }
0x7e: {  	_ =	shalt  }
0x7f: {  	_ =	shalt  }
0x80: {  	_ =	shalt  }
0x81: {  	_ =	shalt  }
0x82: {  	_ =	shalt  }
0x83: {  	_ =	shalt  }
0x84: {  	_ =	shalt  }
0x85: {  	_ =	shalt  }
0x86: {  	_ =	shalt  }
0x87: {  	_ =	shalt  }
.Lfunc_end0:
.L_simem_size_0:
called_computation.1_lowered:
.L_overlay_start_0:
0x88: {  	s2 =	sld [smem:$0x3FD9]  }
0x89: {  	s3 =	sld [smem:$0x3FFE];
	_ =	sdelay $0x1  }
0x8a: {  	s1 =	srdreg.scid  }
0x8b: {  	s0 =	sand.u32 $0x1, s1  }
0x8c: {  	s16 =	sshll.u32 s0, $0xA;
	s2 =	sadd.s32 s3, s2  }
0x8d: {  	s2 =	sadd.s32 s2, s16  }
0x8e: {  	[smem:$0x3FBE] =	sst s2  }
0x8f: {  	_ = 	snop  }
0x90: {  	(tm) =	ssettm $0x1  }
0x91: {  	s17 =	sld [smem:$0x3FFB];
	_ =	sdelay $0x3  }
0x92: {  	_ =	strace s17  }
0x93: {  	s2 =	sld [smem:$0x3FFC];
	_ =	sdelay $0x3  }
0x94: {  	_ =	strace s2  }
0x95: {  	s2 =	sld [smem:$0x3FFD];
	_ =	sdelay $0x3  }
0x96: {  	_ =	strace s2  }
0x97: {  	_ =	strace $0x8FFFFFFF  }
0x98: {  	s18 =	sld [smem:$0x3FDB];
	_ =	sdelay $0x1  }
0x99: {  	s19 =	simm.s32 $_scs_section_size  }
0x9a: {  	s4 =	simm.s32 $_size__tile_overlayer_lowered;
	s5 =	simm.s32 $_tile_overlayer_lowered  }
0x9b: {  	s22 =	simm.s32 $0x1BFF;
	s21 =	sshll.u32 s5, $0x1;
	s2 =	sadd.s32 s19, s18  }
0x9c: {  	s6 =	simm.s32 $0x0;
	s20 =	sshll.u32 s4, $0x1;
	s4 =	sadd.s32 s21, s2  }
0x9d: {  	[timem:s6], [sflag:s22] =	dma.local [hbm:s4], s20  }
0x9e: {  	_ =	swait.ge [sflag:s22], s20  }
0x9f: {  	s3 =	ssub.s32 $0x0, s20;
	[sflag:s22] =	ssyncset.done $0x0  }
0xa0: {  	[sflag:s22] =	ssyncadd.s32 s3;
	_ =	sdelay $0x1  }
0xa1: {  	s23 =	simm.s32 $0x1B8B  }
0xa2: {  	_ =	swait.ge [sflag:s23], $0x1  }
0xa3: {  	[sflag:s23] =	ssyncset.done $0x0  }
0xa4: {  	s25 =	simm.s32 $0x1B8E;
	s24 =	sld [smem:$0x3FFE];
	[sflag:s23] =	ssyncadd.s32 $0xFFFFFFFF  }
0xa5: {  	s26 =	simm.s32 $execute0_lowered;
	[smem:$0x3FD2] =	sst s25  }
0xa6: {  	s4 =	sshll.u32 s26, $0x1;
	_ =	strace $0x80000049;
	[dreg:$0x1] =	wrdreg $0xFFFFFFFF  }
0xa7: {  	s28 =	simm.s32 $_size_execute0_lowered;
	s2 =	sadd.s32 s2, s4;
	[dreg:$0x0] =	wrdreg $0x0  }
0xa8: {  	s4 =	sshll.u32 s28, $0x1;
	[dreg:$0x2] =	wrdreg s2  }
0xa9: {  	[dreg:$0x3] =	wrdreg s4  }
0xaa: {  	[dreg:$0x4] =	wrdreg $0xC0  }
0xab: {  	_ =	task [dreg:s6], $0x5FFFF  }
0xac: {  	[dreg:$0x1] =	wrdreg $0xFFFFFFFF  }
0xad: {  	[dreg:$0x0] =	wrdreg $0x60  }
0xae: {  	[dreg:$0x2] =	wrdreg s24  }
0xaf: {  	[dreg:$0x3] =	wrdreg $0x8F000  }
0xb0: {  	[dreg:$0x4] =	wrdreg $0x9  }
0xb1: {  	_ =	task.clear_ibuf [dreg:s6], $0x5FFFF;
	_ =	strace $0x90000049  }
0xb2: {  	s29 =	simm.s32 $0x9;
	_ =	strace $0x8000004B  }
0xb3: {  	_ =	swait.ge [sflag:s29], $0x1  }
0xb4: {  	[sflag:s29] =	ssyncadd.s32 $0xFFFFFFFF  }
0xb5: {  	_ =	strace $0x9000004B  }
0xb6: {  	_ =	sfence  }
0xb7: {  	s30 =	sld [smem:$0x0];
	_ =	sdelay $0x2  }
0xb8: {  	s31 =	sshll.u32 s1, $0xD;
	s1 =	sshrl.u32 s1, $0x2  }
0xb9: {  	s3 =	sand.u32 $0x4000, s31;
	s1 =	sadd.s32 s1, s30  }
0xba: {  	s0 =	sor.u32 s3, s0;
	s1 =	sshll.u32 s1, $0x11  }
0xbb: {  	s0 =	sor.u32 s1, s0  }
0xbc: {  	s0 =	sadd.s32 $0x8F2B, s0  }
0xbd: {  	[sflag:s0] =	ssyncadd.remote.s32 $0x1  }
0xbe: {  	_ =	sfence.sel $0xFFFF  }
0xbf: {  	[dreg:$0x0] =	wrdreg $0xFFFFFFFF;
	(pc) =	sbr.abs _section_cstart, $3  }
0xc0: {  	[dreg:$0x1] =	wrdreg $0xFFFFFFFF  }
0xc1: {  	_ =	task.clear_ibuf [dreg:s6], $0x2FFFF;
	_ =	strace $0x9FFFFFFF  }
0xc2: {  	(tm) =	ssettm $0x7FFFFFFF  }
0xc3: {  	_ =	shalt  }
tec
execute0_lowered:
.L_overlay_start_1:
0x0: {  	(tag) =	ssettag $0x1  }
0x1: {  	s7 =	rddreg [dreg:$0x0]  }
0x2: {  	s2 =	rddreg [dreg:$0x1]  }
0x3: {  	s0 =	rddreg [dreg:$0x2];
	s3 =	simm.s32 $0x0;
	s1 =	stileid.u32  }
0x4: {  	s4 =	srdreg.scid;
	s14 =	simm.s32 $0x2;
	s15 =	simm.s32 $0x2780  }
0x5: {  	s18 =	simm.s32 $0x80;
	s19 =	simm.s32 $0x4F00;
	s20 =	simm.s32 $0x1  }
0x6: {  	s21 =	simm.s32 $0x0;
	[smem:$0x7FF] =	sst s3;
	s6 =	smul.u32 $0x4F0, s1  }
0x7: {  	s11 =	sand.u32 $0x1, s4;
	s4 =	sadd.s32 $0x8A00, s7;
	s5 =	sadd.s32 $0x84A00, s7  }
0x8: {  	s12 =	smul.u32 $0x4F000, s1;
	s16 =	sshll.u32 s1, $0x6;
	_ =	strace $0x8000004A  }
0x9: {  	s8 =	ssub.s32 $0x2, s11;
	p0 =	seq.s32 s11, $0x1;
	s16 =	sor.u32 $0x1C02, s16  }
.Ltmp0:
0xa: {  	s10 =	sadd.s32 s6, s7;
	s9 =	sshrl.u32 s8, $0x1;
	(pc) =	sbr.rel .LBB2_1-.Ltmp0, $4  }
0xb: {  	s6 =	sadd.s32 $0xAC200, s7;
	s7 =	sadd.s32 $0xD3A00, s7;
	s12 =	sshrl.u32 s12, $0x2  }
0xc: {  	s13 =	ssub.s32 s8, s9;
	s8 =	sadd.s32 $0x7FA00, s10;
	s9 =	smul.u32 $0x2780, s1  }
0xd: {  	s10 =	sadd.s32 $0x3A00, s10;
	s17 =	sadd.s32 s12, s2;
	s13 =	smax.u32 s13, $0x1  }
0xe: {  	s17 =	sshrl.u32 s17, $0x3;
	s11 =	sadd.s32 s4, s9;
	s12 =	sadd.s32 s5, s9  }
.LBB2_7:
0xf: {  	s22 =	sshra.s32 s22, $0x2;
	[sflag:s14] =	ssyncadd.s32 $0xFFFFC000  }
0x10: {  	[tilespmem:s19], [sflag:$0x1] =	stream.indirect.gather [hbm4b:s5+s18], $0x80, s22, s18, $0xb8;
	[tilespmem:$0x1CB00] =	vst v63  }
0x11: {  	_ =	swait.ge [sflag:s20], $0x4000  }
0x12: {  	[sflag:s20] =	ssyncset.done $0x0  }
0x13: {  	s22 =	sadd.s32 $0x2780, s22;
	[sflag:s20] =	ssyncadd.s32 $0xFFFFC000  }
0x14: {  	[spmem:s2] =	stream.indirect.scatter.add.f32 [tilespmem:s19], [sflag:$0x2], $0x80, s22, s18, $0xb8;
	[tilespmem:$0x1CB00] =	vst v63  }
0x15: {  	_ =	swait.ge [sflag:s14], $0x4000  }
0x16: {  	[sflag:s14] =	ssyncset.done $0x0  }
0x17: {  	s22 =	smov.u32 s7;
	[sflag:s14] =	ssyncadd.s32 $0xFFFFC000  }
.LBB2_8:
0x18: {  	s21 =	sadd.s32 $0x1, s21  }
0x19: {  	p1 =	sne.s32 s21, s13  }
.Ltmp1:
0x1a: {  	s22 =	sadd.s32 s22, s9;
	[bflag:$0x0] =	sbarrier.arrive $0xFFFF;
	(pc) =	sbr.rel @!p1 .LBB2_9-.Ltmp1, $4  }
0x1b: {  	[hbm:s22], [sflag:s16] =	dma.local [spmem:s17], $0x2780  }
0x1c: {  	_ =	swait.ge [sflag:s14], $0x2780  }
0x1d: {  	[sflag:s14] =	ssyncset.done $0x0  }
0x1e: {  	[sflag:s14] =	ssyncadd.s32 $0xFFFFD880  }
.LBB2_1:
0x1f: {  	[tilespmem:s3], [sflag:$0x2] =	stream.linear.gather [hbm4b:s8+s3], $0x2780, $0x38;
	[tilespmem:$0x1CB00] =	vst v63  }
0x20: {  	_ =	swait.ge [sflag:s14], $0x2780  }
0x21: {  	[sflag:s14] =	ssyncset.done $0x0  }
.Ltmp2:
0x22: {  	[sflag:s14] =	ssyncadd.s32 $0xFFFFD880;
	(pc) =	sbr.rel @!p0 .LBB2_2-.Ltmp2, $4  }
0x23: {  	[tilespmem:s15], [sflag:$0x2] =	stream.linear.gather [hbm4b:s10+s3], $0x2780, $0x38;
	[tilespmem:$0x1CB00] =	vst v63  }
0x24: {  	_ =	swait.ge [sflag:s14], $0x2780  }
0x25: {  	[sflag:s14] =	ssyncset.done $0x0  }
0x26: {  	[sflag:s14] =	ssyncadd.s32 $0xFFFFD880  }
0x27: {  	[spmem:s17], [sflag:s16] =	dma.local [hbm:s12], $0x2780  }
0x28: {  	_ =	swait.ge [sflag:s14], $0x2780  }
0x29: {  	[sflag:s14] =	ssyncset.done $0x0  }
0x2a: {  	[sflag:s14] =	ssyncadd.s32 $0xFFFFD880  }
0x2b: {  	s22 =	simm.s32 $0x0;
	[bflag:$0x0] =	sbarrier.arrive $0xFFFF  }
0x2c: {  	[tilespmem:s19], [sflag:$0x1] =	stream.indirect.gather [hbm4b:s5+s18], $0x80, s22, s18, $0xb8;
	[tilespmem:$0x1CB00] =	vst v63  }
0x2d: {  	_ =	swait.ge [sflag:s20], $0x4000  }
0x2e: {  	[sflag:s20] =	ssyncset.done $0x0  }
0x2f: {  	s31 =	simm.s32 $0x2780;
	[sflag:s20] =	ssyncadd.s32 $0xFFFFC000  }
0x30: {  	[spmem:s2] =	stream.indirect.scatter.add.f32 [tilespmem:s19], [sflag:$0x2], $0x80, s31, s18, $0xb8;
	[tilespmem:$0x1CB00] =	vst v63  }
0x31: {  	_ =	swait.ge [sflag:s14], $0x4000  }
0x32: {  	s23 =	simm.s32 $0x400;
	s22 =	simm.s32 $0x200;
	[sflag:s14] =	ssyncset.done $0x0  }
.LBB2_6:
0x33: {  	s24 =	sshra.s32 s22, $0x2  }
0x34: {  	[sflag:s14] =	ssyncadd.s32 $0xFFFFC000;
	s22 =	smov.u32 s23;
	s25 =	sadd.s32 $0x200, s23  }
0x35: {  	[tilespmem:s19], [sflag:$0x1] =	stream.indirect.gather [hbm4b:s5+s18], $0x80, s24, s18, $0xb8;
	[tilespmem:$0x1CB00] =	vst v63  }
0x36: {  	p1 =	sne.s32 s23, $0x9C00;
	_ =	swait.ge [sflag:s20], $0x4000  }
.Ltmp3:
0x37: {  	[sflag:s20] =	ssyncset.done $0x0;
	(pc) =	sbr.rel @p1 .LBB2_6-.Ltmp3, $4  }
0x38: {  	s23 =	sadd.s32 $0x2780, s24;
	[sflag:s20] =	ssyncadd.s32 $0xFFFFC000  }
0x39: {  	[spmem:s2] =	stream.indirect.scatter.add.f32 [tilespmem:s19], [sflag:$0x2], $0x80, s23, s18, $0xb8;
	[tilespmem:$0x1CB00] =	vst v63  }
0x3a: {  	_ =	swait.ge [sflag:s14], $0x4000  }
0x3b: {  	s23 =	smov.u32 s25;
	[sflag:s14] =	ssyncset.done $0x0  }
.Ltmp4:
0x3c: {  	_ = 	snop;
	(pc) =	sbr.rel .LBB2_7-.Ltmp4, $1  }
0x3d: {  	_ =	sdelay $0x3  }
.LBB2_2:
0x3e: {  	[spmem:s17], [sflag:s16] =	dma.local [hbm:s11], $0x2780  }
0x3f: {  	_ =	swait.ge [sflag:s14], $0x2780  }
0x40: {  	[sflag:s14] =	ssyncset.done $0x0  }
0x41: {  	[sflag:s14] =	ssyncadd.s32 $0xFFFFD880  }
0x42: {  	s22 =	simm.s32 $0x0;
	[bflag:$0x0] =	sbarrier.arrive $0xFFFF  }
0x43: {  	[tilespmem:s19], [sflag:$0x1] =	stream.indirect.gather [hbm4b:s4+s18], $0x80, s22, s18, $0xb8;
	[tilespmem:$0x1CB00] =	vst v63  }
0x44: {  	_ =	swait.ge [sflag:s20], $0x4000  }
0x45: {  	[sflag:s20] =	ssyncset.done $0x0  }
0x46: {  	s31 =	simm.s32 $0x2780;
	[sflag:s20] =	ssyncadd.s32 $0xFFFFC000  }
0x47: {  	[spmem:s2] =	stream.indirect.scatter.add.f32 [tilespmem:s19], [sflag:$0x2], $0x80, s31, s18, $0xb8;
	[tilespmem:$0x1CB00] =	vst v63  }
0x48: {  	_ =	swait.ge [sflag:s14], $0x4000  }
0x49: {  	s23 =	simm.s32 $0x400;
	s22 =	simm.s32 $0x200;
	[sflag:s14] =	ssyncset.done $0x0  }
.LBB2_3:
0x4a: {  	s24 =	sshra.s32 s22, $0x2  }
0x4b: {  	[sflag:s14] =	ssyncadd.s32 $0xFFFFC000;
	s22 =	smov.u32 s23;
	s25 =	sadd.s32 $0x200, s23  }
0x4c: {  	[tilespmem:s19], [sflag:$0x1] =	stream.indirect.gather [hbm4b:s4+s18], $0x80, s24, s18, $0xb8;
	[tilespmem:$0x1CB00] =	vst v63  }
0x4d: {  	p1 =	seq.s32 s23, $0x9C00;
	_ =	swait.ge [sflag:s20], $0x4000  }
.Ltmp5:
0x4e: {  	[sflag:s20] =	ssyncset.done $0x0;
	(pc) =	sbr.rel @!p1 .LBB2_3-.Ltmp5, $4  }
0x4f: {  	s23 =	sadd.s32 $0x2780, s24;
	[sflag:s20] =	ssyncadd.s32 $0xFFFFC000  }
0x50: {  	[spmem:s2] =	stream.indirect.scatter.add.f32 [tilespmem:s19], [sflag:$0x2], $0x80, s23, s18, $0xb8;
	[tilespmem:$0x1CB00] =	vst v63  }
0x51: {  	_ =	swait.ge [sflag:s14], $0x4000  }
0x52: {  	s23 =	smov.u32 s25;
	[sflag:s14] =	ssyncset.done $0x0  }
0x53: {  	s22 =	sshra.s32 s22, $0x2;
	[sflag:s14] =	ssyncadd.s32 $0xFFFFC000  }
0x54: {  	[tilespmem:s19], [sflag:$0x1] =	stream.indirect.gather [hbm4b:s4+s18], $0x80, s22, s18, $0xb8;
	[tilespmem:$0x1CB00] =	vst v63  }
0x55: {  	_ =	swait.ge [sflag:s20], $0x4000  }
0x56: {  	[sflag:s20] =	ssyncset.done $0x0  }
.Ltmp6:
0x57: {  	s22 =	sadd.s32 $0x2780, s22;
	[sflag:s20] =	ssyncadd.s32 $0xFFFFC000;
	(pc) =	sbr.rel .LBB2_8-.Ltmp6, $4  }
0x58: {  	[spmem:s2] =	stream.indirect.scatter.add.f32 [tilespmem:s19], [sflag:$0x2], $0x80, s22, s18, $0xb8;
	[tilespmem:$0x1CB00] =	vst v63  }
0x59: {  	_ =	swait.ge [sflag:s14], $0x4000  }
0x5a: {  	[sflag:s14] =	ssyncset.done $0x0  }
0x5b: {  	s22 =	smov.u32 s6;
	[sflag:s14] =	ssyncadd.s32 $0xFFFFC000  }
.LBB2_9:
0x5c: {  	_ =	sfence.sel $0x180000  }
0x5d: {  	[bflag:$0x0] =	sbarrier.arrive $0xFFFF  }
0x5e: {  	p0 =	sne.s32 s1, $0x0;
	_ =	strace $0x9000004A  }
0x5f: {  	s0 =	sadd.s32 @!p0 $0x100000, s0;
	[bflag:$0x2] =	sbarrier.arrive $0xFFFF  }
0x60: {  	[sflag:s0] =	ssyncadd.tile.s32 @!p0 $0x1;
	_ =	shalt  }
.Lfunc_end2:
_tile_overlayer_lowered:
.L_overlay_start_2:
0x61: {  	(tag) =	ssettag $0x2  }
0x62: {  	s0 =	rddreg [dreg:$0x0];
	s2 =	stileid.u32  }
0x63: {  	s1 =	rddreg [dreg:$0x1];
	p0 =	sne.s32 s2, $0x0  }
0x64: {  	s3 =	rddreg [dreg:$0x2];
	[bflag:$0x3] =	sbarrier.arrive $0xFFFF;
	s2 =	simm.s32 @!p0 $0x1C02  }
0x65: {  	[timem:s3], [sflag:s2] =	dma.local @!p0 [hbm:s0], s1  }
0x66: {  	s0 =	simm.s32 @!p0 $0x2  }
0x67: {  	_ =	swait.ge @!p0 [sflag:s0], s1  }
0x68: {  	s1 =	ssub.s32 @!p0 $0x0, s1;
	[sflag:s0] =	ssyncset.done @!p0 $0x0  }
0x69: {  	[sflag:s0] =	ssyncadd.s32 @!p0 s1  }
0x6a: {  	[bflag:$0x3] =	sbarrier.arrive $0xFFFF  }
0x6b: {  	_ =	shalt  }

// kernel: kernel.14.cloned.1.call-start
scs
__scs_entry_jumppad:
0x0: {  	(pc) =	sbr.rel $0x88, $3  }
0x1: {  	(tag) =	ssettag $0x0;
	lr =	simm.s32 $0x1  }
0x2: {  	[smem:$0x3F97] =	sst lr;
	_ =	strace $0xD0000000  }
0x3: {  	_ = 	snop  }
0x4: {  	_ = 	snop  }
0x5: {  	_ = 	snop  }
0x6: {  	_ = 	snop  }
0x7: {  	_ = 	snop  }
__scs_overlays_trampoline_lowered:
0x8: {  	[smem:$0x3FA6] =	sst s0  }
0x9: {  	[smem:$0x3FA7] =	sst s1  }
0xa: {  	[smem:$0x3FA8] =	sst s2  }
0xb: {  	[smem:$0x3FA9] =	sst s3  }
0xc: {  	[smem:$0x3FAA] =	sst s4  }
0xd: {  	[smem:$0x3FAB] =	sst s5  }
0xe: {  	[smem:$0x3FAC] =	sst s6  }
0xf: {  	[smem:$0x3FAD] =	sst s7  }
0x10: {  	[smem:$0x3FAE] =	sst s8  }
0x11: {  	[smem:$0x3FAF] =	sst s9;
	s0 =	simm.s32 @!p0 $0x0  }
0x12: {  	s1 =	sld [smem:$0x3F95];
	s0 =	simm.s32 @p0 $0x1  }
0x13: {  	[smem:$0x3FB0] =	sst s0;
	s0 =	simm.s32 @!p1 $0x0  }
0x14: {  	s2 =	sld [smem:$0x3F94];
	s0 =	simm.s32 @p1 $0x1  }
0x15: {  	[smem:$0x3FB1] =	sst s0;
	s0 =	simm.s32 @!p2 $0x0  }
0x16: {  	s3 =	sld [smem:$0x3FDB];
	s0 =	simm.s32 @p2 $0x1  }
0x17: {  	s4 =	simm.s32 $0x1BF5;
	[smem:$0x3FB3] =	sst s0  }
0x18: {  	s0 =	sld [smem:$0x3F96];
	_ =	swait.ge [sflag:s4], $0x0  }
0x19: {  	s7 =	sld [smem:$0x3F97]  }
0x1a: {  	s8 =	sadd.s32 $0xFFFFE003, lr  }
0x1b: {  	s9 =	sadd.s32 $0xFFFFFEF7, lr;
	s5 =	simm.s32 $0xFFFFFFFF;
	p2 =	slt.u32 s8, $0xFFFFF086  }
0x1c: {  	p1 =	slt.u32 s9, $0xF7A;
	s5 =	simm.s32 @!p2 $0x0  }
0x1d: {  	s5 =	simm.s32 @p1 $0x1;
	p0 =	seq.s32 s7, s2  }
0x1e: {  	s7 =	smul.u32 @!p0 $0xF7A, s2;
	p2 =	seq.s32 @!p0 s5, $0x0  }
0x1f: {  	s9 =	smul.u32 $0xF7A, s1;
	s8 =	simm.s32 @!p0 $0x1BF5;
	p2 =	por !p2, p0  }
0x20: {  	[sflag:s8] =	ssyncset.s32 @!p0 $0xFFFFF086;
	s6 =	sadd.s32 @!p0 s3, s7;
	s7 =	simm.s32 @!p0 $0x108  }
0x21: {  	s3 =	sadd.s32 s3, s9;
	s6 =	sadd.s32 @!p0 $0x88, s6;
	s7 =	simm.s32 @p2 $0x1082  }
0x22: {  	[simem:s7], [sflag:s8] =	dma.local @!p0 [hbm:s6], $0xF7A  }
0x23: {  	s9 =	sor.u32 $0xD0000000, s2;
	s6 =	simm.s32 $0x108;
	_ =	swait.ge @!p0 [sflag:s8], $0x0  }
0x24: {  	s3 =	sadd.s32 $0x88, s3;
	s6 =	simm.s32 @!p1 $0x1082;
	[sflag:s4] =	ssyncset.s32 $0xFFFFF086  }
0x25: {  	[simem:s6], [sflag:s4] =	dma.local [hbm:s3], $0xF7A  }
0x26: {  	[smem:$0x3F97] =	sst s1;
	(tag) =	ssettag s2;
	_ =	strace s9  }
0x27: {  	s1 =	sld [smem:$0x3FA7]  }
0x28: {  	s2 =	sld [smem:$0x3FA8]  }
0x29: {  	s4 =	sld [smem:$0x3FAA]  }
0x2a: {  	p0 =	seq.s32 s5, $0x0;
	s5 =	sld [smem:$0x3FAB]  }
0x2b: {  	s6 =	sld [smem:$0x3FAC]  }
0x2c: {  	s7 =	sld [smem:$0x3FAD]  }
0x2d: {  	s3 =	simm.s32 $0x108;
	s8 =	sld [smem:$0x3FAE]  }
0x2e: {  	s3 =	simm.s32 @!p0 $0x1082;
	s9 =	sld [smem:$0x3FAF]  }
0x2f: {  	lr =	sadd.s32 s0, s3;
	s0 =	sld [smem:$0x3FA6]  }
0x30: {  	s3 =	sld [smem:$0x3FA9]  }
0x31: {  	[smem:$0x3FB2] =	sst s10  }
0x32: {  	s10 =	sld [smem:$0x3FB0];
	_ =	sdelay $0x3  }
0x33: {  	p0 =	seq.s32 s10, $0x1;
	s10 =	sld [smem:$0x3FB2];
	_ =	sdelay $0x3  }
0x34: {  	[smem:$0x3FB2] =	sst s10  }
0x35: {  	s10 =	sld [smem:$0x3FB1];
	_ =	sdelay $0x3  }
0x36: {  	p1 =	seq.s32 s10, $0x1;
	s10 =	sld [smem:$0x3FB2];
	_ =	sdelay $0x3  }
0x37: {  	[smem:$0x3FB2] =	sst s10  }
0x38: {  	s10 =	sld [smem:$0x3FB3]  }
0x39: {  	_ = 	snop;
	(pc) =	sbr.ind lr, $3  }
0x3a: {  	_ = 	snop  }
0x3b: {  	_ = 	snop  }
0x3c: {  	p2 =	seq.s32 s10, $0x1;
	s10 =	sld [smem:$0x3FB2]  }
0x3d: {  	_ =	shalt  }
0x3e: {  	_ =	shalt  }
0x3f: {  	_ =	shalt  }
0x40: {  	_ =	shalt  }
0x41: {  	_ =	shalt  }
0x42: {  	_ =	shalt  }
0x43: {  	_ =	shalt  }
0x44: {  	_ =	shalt  }
0x45: {  	_ =	shalt  }
0x46: {  	_ =	shalt  }
0x47: {  	_ =	shalt  }
0x48: {  	_ =	shalt  }
0x49: {  	_ =	shalt  }
0x4a: {  	_ =	shalt  }
0x4b: {  	_ =	shalt  }
0x4c: {  	_ =	shalt  }
0x4d: {  	_ =	shalt  }
0x4e: {  	_ =	shalt  }
0x4f: {  	_ =	shalt  }
0x50: {  	_ =	shalt  }
0x51: {  	_ =	shalt  }
0x52: {  	_ =	shalt  }
0x53: {  	_ =	shalt  }
0x54: {  	_ =	shalt  }
0x55: {  	_ =	shalt  }
0x56: {  	_ =	shalt  }
0x57: {  	_ =	shalt  }
0x58: {  	_ =	shalt  }
0x59: {  	_ =	shalt  }
0x5a: {  	_ =	shalt  }
0x5b: {  	_ =	shalt  }
0x5c: {  	_ =	shalt  }
0x5d: {  	_ =	shalt  }
0x5e: {  	_ =	shalt  }
0x5f: {  	_ =	shalt  }
0x60: {  	_ =	shalt  }
0x61: {  	_ =	shalt  }
0x62: {  	_ =	shalt  }
0x63: {  	_ =	shalt  }
0x64: {  	_ =	shalt  }
0x65: {  	_ =	shalt  }
0x66: {  	_ =	shalt  }
0x67: {  	_ =	shalt  }
0x68: {  	_ =	shalt  }
0x69: {  	_ =	shalt  }
0x6a: {  	_ =	shalt  }
0x6b: {  	_ =	shalt  }
0x6c: {  	_ =	shalt  }
0x6d: {  	_ =	shalt  }
0x6e: {  	_ =	shalt  }
0x6f: {  	_ =	shalt  }
0x70: {  	_ =	shalt  }
0x71: {  	_ =	shalt  }
0x72: {  	_ =	shalt  }
0x73: {  	_ =	shalt  }
0x74: {  	_ =	shalt  }
0x75: {  	_ =	shalt  }
0x76: {  	_ =	shalt  }
0x77: {  	_ =	shalt  }
0x78: {  	_ =	shalt  }
0x79: {  	_ =	shalt  }
0x7a: {  	_ =	shalt  }
0x7b: {  	_ =	shalt  }
0x7c: {  	_ =	shalt  }
0x7d: {  	_ =	shalt  }
0x7e: {  	_ =	shalt  }
0x7f: {  	_ =	shalt  }
0x80: {  	_ =	shalt  }
0x81: {  	_ =	shalt  }
0x82: {  	_ =	shalt  }
0x83: {  	_ =	shalt  }
0x84: {  	_ =	shalt  }
0x85: {  	_ =	shalt  }
0x86: {  	_ =	shalt  }
0x87: {  	_ =	shalt  }
.Lfunc_end0:
.L_simem_size_0:
called_computation.2_lowered:
.L_overlay_start_0:
0x88: {  	s2 =	sld [smem:$0x3FD9]  }
0x89: {  	s3 =	sld [smem:$0x3FFE];
	_ =	sdelay $0x1  }
0x8a: {  	s1 =	srdreg.scid  }
0x8b: {  	s0 =	sand.u32 $0x1, s1  }
0x8c: {  	s16 =	sshll.u32 s0, $0xA;
	s2 =	sadd.s32 s3, s2  }
0x8d: {  	s2 =	sadd.s32 s2, s16  }
0x8e: {  	[smem:$0x3FBE] =	sst s2  }
0x8f: {  	_ = 	snop  }
0x90: {  	(tm) =	ssettm $0x1  }
0x91: {  	s17 =	sld [smem:$0x3FFB];
	_ =	sdelay $0x3  }
0x92: {  	_ =	strace s17  }
0x93: {  	s2 =	sld [smem:$0x3FFC];
	_ =	sdelay $0x3  }
0x94: {  	_ =	strace s2  }
0x95: {  	s2 =	sld [smem:$0x3FFD];
	_ =	sdelay $0x3  }
0x96: {  	_ =	strace s2  }
0x97: {  	_ =	strace $0x8FFFFFFF  }
0x98: {  	s18 =	sld [smem:$0x3FDB];
	_ =	sdelay $0x1  }
0x99: {  	s19 =	simm.s32 $_scs_section_size  }
0x9a: {  	s4 =	simm.s32 $_size__tile_overlayer_lowered;
	s5 =	simm.s32 $_tile_overlayer_lowered  }
0x9b: {  	s22 =	simm.s32 $0x1BFF;
	s21 =	sshll.u32 s5, $0x1;
	s2 =	sadd.s32 s19, s18  }
0x9c: {  	s6 =	simm.s32 $0x0;
	s20 =	sshll.u32 s4, $0x1;
	s4 =	sadd.s32 s21, s2  }
0x9d: {  	[timem:s6], [sflag:s22] =	dma.local [hbm:s4], s20  }
0x9e: {  	_ =	swait.ge [sflag:s22], s20  }
0x9f: {  	s3 =	ssub.s32 $0x0, s20;
	[sflag:s22] =	ssyncset.done $0x0  }
0xa0: {  	[sflag:s22] =	ssyncadd.s32 s3;
	_ =	sdelay $0x1  }
0xa1: {  	s23 =	simm.s32 $0x1B8B  }
0xa2: {  	_ =	swait.ge [sflag:s23], $0x1  }
0xa3: {  	[sflag:s23] =	ssyncset.done $0x0  }
0xa4: {  	s25 =	simm.s32 $0x1B8E;
	s24 =	sld [smem:$0x3FFE];
	[sflag:s23] =	ssyncadd.s32 $0xFFFFFFFF  }
0xa5: {  	s26 =	simm.s32 $execute0_lowered;
	[smem:$0x3FD2] =	sst s25  }
0xa6: {  	s4 =	sshll.u32 s26, $0x1;
	_ =	strace $0x8000004C;
	[dreg:$0x1] =	wrdreg $0xFFFFFFFF  }
0xa7: {  	s28 =	simm.s32 $_size_execute0_lowered;
	s2 =	sadd.s32 s2, s4;
	[dreg:$0x0] =	wrdreg $0x0  }
0xa8: {  	s4 =	sshll.u32 s28, $0x1;
	[dreg:$0x2] =	wrdreg s2  }
0xa9: {  	[dreg:$0x3] =	wrdreg s4  }
0xaa: {  	[dreg:$0x4] =	wrdreg $0xC0  }
0xab: {  	_ =	task [dreg:s6], $0x5FFFF  }
0xac: {  	[dreg:$0x1] =	wrdreg $0xFFFFFFFF  }
0xad: {  	[dreg:$0x0] =	wrdreg $0x60  }
0xae: {  	[dreg:$0x2] =	wrdreg s24  }
0xaf: {  	[dreg:$0x3] =	wrdreg $0x8F000  }
0xb0: {  	[dreg:$0x4] =	wrdreg $0x9  }
0xb1: {  	_ =	task.clear_ibuf [dreg:s6], $0x5FFFF;
	_ =	strace $0x9000004C  }
0xb2: {  	s29 =	simm.s32 $0x9;
	_ =	strace $0x8000004E  }
0xb3: {  	_ =	swait.ge [sflag:s29], $0x1  }
0xb4: {  	[sflag:s29] =	ssyncadd.s32 $0xFFFFFFFF  }
0xb5: {  	_ =	strace $0x9000004E  }
0xb6: {  	_ =	sfence  }
0xb7: {  	s30 =	sld [smem:$0x0];
	_ =	sdelay $0x2  }
0xb8: {  	s31 =	sshll.u32 s1, $0xD;
	s1 =	sshrl.u32 s1, $0x2  }
0xb9: {  	s3 =	sand.u32 $0x4000, s31;
	s1 =	sadd.s32 s1, s30  }
0xba: {  	s0 =	sor.u32 s3, s0;
	s1 =	sshll.u32 s1, $0x11  }
0xbb: {  	s0 =	sor.u32 s1, s0  }
0xbc: {  	s0 =	sadd.s32 $0x8F2B, s0  }
0xbd: {  	[sflag:s0] =	ssyncadd.remote.s32 $0x1  }
0xbe: {  	_ =	sfence.sel $0xFFFF  }
0xbf: {  	[dreg:$0x0] =	wrdreg $0xFFFFFFFF;
	(pc) =	sbr.abs _section_cstart, $3  }
0xc0: {  	[dreg:$0x1] =	wrdreg $0xFFFFFFFF  }
0xc1: {  	_ =	task.clear_ibuf [dreg:s6], $0x2FFFF;
	_ =	strace $0x9FFFFFFF  }
0xc2: {  	(tm) =	ssettm $0x7FFFFFFF  }
0xc3: {  	_ =	shalt  }
tec
execute0_lowered:
.L_overlay_start_1:
0x0: {  	(tag) =	ssettag $0x1  }
0x1: {  	s7 =	rddreg [dreg:$0x0]  }
0x2: {  	s2 =	rddreg [dreg:$0x1]  }
0x3: {  	s0 =	rddreg [dreg:$0x2];
	s3 =	simm.s32 $0x0;
	s1 =	stileid.u32  }
0x4: {  	s4 =	srdreg.scid;
	s14 =	simm.s32 $0x2;
	s15 =	simm.s32 $0x2780  }
0x5: {  	s18 =	simm.s32 $0x80;
	s19 =	simm.s32 $0x4F00;
	s20 =	simm.s32 $0x1  }
0x6: {  	s21 =	simm.s32 $0x0;
	[smem:$0x7FF] =	sst s3;
	s6 =	smul.u32 $0x4F0, s1  }
0x7: {  	s11 =	sand.u32 $0x1, s4;
	s4 =	sadd.s32 $0x8A00, s7;
	s5 =	sadd.s32 $0x84A00, s7  }
0x8: {  	s12 =	smul.u32 $0x4F000, s1;
	s16 =	sshll.u32 s1, $0x6;
	_ =	strace $0x8000004D  }
0x9: {  	s8 =	ssub.s32 $0x2, s11;
	p0 =	seq.s32 s11, $0x1;
	s16 =	sor.u32 $0x1C02, s16  }
.Ltmp0:
0xa: {  	s10 =	sadd.s32 s6, s7;
	s9 =	sshrl.u32 s8, $0x1;
	(pc) =	sbr.rel .LBB2_1-.Ltmp0, $4  }
0xb: {  	s6 =	sadd.s32 $0xAC200, s7;
	s7 =	sadd.s32 $0xD3A00, s7;
	s12 =	sshrl.u32 s12, $0x2  }
0xc: {  	s13 =	ssub.s32 s8, s9;
	s8 =	sadd.s32 $0x7FA00, s10;
	s9 =	smul.u32 $0x2780, s1  }
0xd: {  	s10 =	sadd.s32 $0x3A00, s10;
	s17 =	sadd.s32 s12, s2;
	s13 =	smax.u32 s13, $0x1  }
0xe: {  	s17 =	sshrl.u32 s17, $0x3;
	s11 =	sadd.s32 s4, s9;
	s12 =	sadd.s32 s5, s9  }
.LBB2_7:
0xf: {  	s22 =	sshra.s32 s22, $0x2;
	[sflag:s14] =	ssyncadd.s32 $0xFFFFC000  }
0x10: {  	[tilespmem:s19], [sflag:$0x1] =	stream.indirect.gather [hbm4b:s5+s18], $0x80, s22, s18, $0xb8;
	[tilespmem:$0x1CB00] =	vst v63  }
0x11: {  	_ =	swait.ge [sflag:s20], $0x4000  }
0x12: {  	[sflag:s20] =	ssyncset.done $0x0  }
0x13: {  	s22 =	sadd.s32 $0x2780, s22;
	[sflag:s20] =	ssyncadd.s32 $0xFFFFC000  }
0x14: {  	[spmem:s2] =	stream.indirect.scatter.add.f32 [tilespmem:s19], [sflag:$0x2], $0x80, s22, s18, $0xb8;
	[tilespmem:$0x1CB00] =	vst v63  }
0x15: {  	_ =	swait.ge [sflag:s14], $0x4000  }
0x16: {  	[sflag:s14] =	ssyncset.done $0x0  }
0x17: {  	s22 =	smov.u32 s7;
	[sflag:s14] =	ssyncadd.s32 $0xFFFFC000  }
.LBB2_8:
0x18: {  	s21 =	sadd.s32 $0x1, s21  }
0x19: {  	p1 =	sne.s32 s21, s13  }
.Ltmp1:
0x1a: {  	s22 =	sadd.s32 s22, s9;
	[bflag:$0x0] =	sbarrier.arrive $0xFFFF;
	(pc) =	sbr.rel @!p1 .LBB2_9-.Ltmp1, $4  }
0x1b: {  	[hbm:s22], [sflag:s16] =	dma.local [spmem:s17], $0x2780  }
0x1c: {  	_ =	swait.ge [sflag:s14], $0x2780  }
0x1d: {  	[sflag:s14] =	ssyncset.done $0x0  }
0x1e: {  	[sflag:s14] =	ssyncadd.s32 $0xFFFFD880  }
.LBB2_1:
0x1f: {  	[tilespmem:s3], [sflag:$0x2] =	stream.linear.gather [hbm4b:s8+s3], $0x2780, $0x38;
	[tilespmem:$0x1CB00] =	vst v63  }
0x20: {  	_ =	swait.ge [sflag:s14], $0x2780  }
0x21: {  	[sflag:s14] =	ssyncset.done $0x0  }
.Ltmp2:
0x22: {  	[sflag:s14] =	ssyncadd.s32 $0xFFFFD880;
	(pc) =	sbr.rel @!p0 .LBB2_2-.Ltmp2, $4  }
0x23: {  	[tilespmem:s15], [sflag:$0x2] =	stream.linear.gather [hbm4b:s10+s3], $0x2780, $0x38;
	[tilespmem:$0x1CB00] =	vst v63  }
0x24: {  	_ =	swait.ge [sflag:s14], $0x2780  }
0x25: {  	[sflag:s14] =	ssyncset.done $0x0  }
0x26: {  	[sflag:s14] =	ssyncadd.s32 $0xFFFFD880  }
0x27: {  	[spmem:s17], [sflag:s16] =	dma.local [hbm:s12], $0x2780  }
0x28: {  	_ =	swait.ge [sflag:s14], $0x2780  }
0x29: {  	[sflag:s14] =	ssyncset.done $0x0  }
0x2a: {  	[sflag:s14] =	ssyncadd.s32 $0xFFFFD880  }
0x2b: {  	s22 =	simm.s32 $0x0;
	[bflag:$0x0] =	sbarrier.arrive $0xFFFF  }
0x2c: {  	[tilespmem:s19], [sflag:$0x1] =	stream.indirect.gather [hbm4b:s5+s18], $0x80, s22, s18, $0xb8;
	[tilespmem:$0x1CB00] =	vst v63  }
0x2d: {  	_ =	swait.ge [sflag:s20], $0x4000  }
0x2e: {  	[sflag:s20] =	ssyncset.done $0x0  }
0x2f: {  	s31 =	simm.s32 $0x2780;
	[sflag:s20] =	ssyncadd.s32 $0xFFFFC000  }
0x30: {  	[spmem:s2] =	stream.indirect.scatter.add.f32 [tilespmem:s19], [sflag:$0x2], $0x80, s31, s18, $0xb8;
	[tilespmem:$0x1CB00] =	vst v63  }
0x31: {  	_ =	swait.ge [sflag:s14], $0x4000  }
0x32: {  	s23 =	simm.s32 $0x400;
	s22 =	simm.s32 $0x200;
	[sflag:s14] =	ssyncset.done $0x0  }
.LBB2_6:
0x33: {  	s24 =	sshra.s32 s22, $0x2  }
0x34: {  	[sflag:s14] =	ssyncadd.s32 $0xFFFFC000;
	s22 =	smov.u32 s23;
	s25 =	sadd.s32 $0x200, s23  }
0x35: {  	[tilespmem:s19], [sflag:$0x1] =	stream.indirect.gather [hbm4b:s5+s18], $0x80, s24, s18, $0xb8;
	[tilespmem:$0x1CB00] =	vst v63  }
0x36: {  	p1 =	sne.s32 s23, $0x9C00;
	_ =	swait.ge [sflag:s20], $0x4000  }
.Ltmp3:
0x37: {  	[sflag:s20] =	ssyncset.done $0x0;
	(pc) =	sbr.rel @p1 .LBB2_6-.Ltmp3, $4  }
0x38: {  	s23 =	sadd.s32 $0x2780, s24;
	[sflag:s20] =	ssyncadd.s32 $0xFFFFC000  }
0x39: {  	[spmem:s2] =	stream.indirect.scatter.add.f32 [tilespmem:s19], [sflag:$0x2], $0x80, s23, s18, $0xb8;
	[tilespmem:$0x1CB00] =	vst v63  }
0x3a: {  	_ =	swait.ge [sflag:s14], $0x4000  }
0x3b: {  	s23 =	smov.u32 s25;
	[sflag:s14] =	ssyncset.done $0x0  }
.Ltmp4:
0x3c: {  	_ = 	snop;
	(pc) =	sbr.rel .LBB2_7-.Ltmp4, $1  }
0x3d: {  	_ =	sdelay $0x3  }
.LBB2_2:
0x3e: {  	[spmem:s17], [sflag:s16] =	dma.local [hbm:s11], $0x2780  }
0x3f: {  	_ =	swait.ge [sflag:s14], $0x2780  }
0x40: {  	[sflag:s14] =	ssyncset.done $0x0  }
0x41: {  	[sflag:s14] =	ssyncadd.s32 $0xFFFFD880  }
0x42: {  	s22 =	simm.s32 $0x0;
	[bflag:$0x0] =	sbarrier.arrive $0xFFFF  }
0x43: {  	[tilespmem:s19], [sflag:$0x1] =	stream.indirect.gather [hbm4b:s4+s18], $0x80, s22, s18, $0xb8;
	[tilespmem:$0x1CB00] =	vst v63  }
0x44: {  	_ =	swait.ge [sflag:s20], $0x4000  }
0x45: {  	[sflag:s20] =	ssyncset.done $0x0  }
0x46: {  	s31 =	simm.s32 $0x2780;
	[sflag:s20] =	ssyncadd.s32 $0xFFFFC000  }
0x47: {  	[spmem:s2] =	stream.indirect.scatter.add.f32 [tilespmem:s19], [sflag:$0x2], $0x80, s31, s18, $0xb8;
	[tilespmem:$0x1CB00] =	vst v63  }
0x48: {  	_ =	swait.ge [sflag:s14], $0x4000  }
0x49: {  	s23 =	simm.s32 $0x400;
	s22 =	simm.s32 $0x200;
	[sflag:s14] =	ssyncset.done $0x0  }
.LBB2_3:
0x4a: {  	s24 =	sshra.s32 s22, $0x2  }
0x4b: {  	[sflag:s14] =	ssyncadd.s32 $0xFFFFC000;
	s22 =	smov.u32 s23;
	s25 =	sadd.s32 $0x200, s23  }
0x4c: {  	[tilespmem:s19], [sflag:$0x1] =	stream.indirect.gather [hbm4b:s4+s18], $0x80, s24, s18, $0xb8;
	[tilespmem:$0x1CB00] =	vst v63  }
0x4d: {  	p1 =	seq.s32 s23, $0x9C00;
	_ =	swait.ge [sflag:s20], $0x4000  }
.Ltmp5:
0x4e: {  	[sflag:s20] =	ssyncset.done $0x0;
	(pc) =	sbr.rel @!p1 .LBB2_3-.Ltmp5, $4  }
0x4f: {  	s23 =	sadd.s32 $0x2780, s24;
	[sflag:s20] =	ssyncadd.s32 $0xFFFFC000  }
0x50: {  	[spmem:s2] =	stream.indirect.scatter.add.f32 [tilespmem:s19], [sflag:$0x2], $0x80, s23, s18, $0xb8;
	[tilespmem:$0x1CB00] =	vst v63  }
0x51: {  	_ =	swait.ge [sflag:s14], $0x4000  }
0x52: {  	s23 =	smov.u32 s25;
	[sflag:s14] =	ssyncset.done $0x0  }
0x53: {  	s22 =	sshra.s32 s22, $0x2;
	[sflag:s14] =	ssyncadd.s32 $0xFFFFC000  }
0x54: {  	[tilespmem:s19], [sflag:$0x1] =	stream.indirect.gather [hbm4b:s4+s18], $0x80, s22, s18, $0xb8;
	[tilespmem:$0x1CB00] =	vst v63  }
0x55: {  	_ =	swait.ge [sflag:s20], $0x4000  }
0x56: {  	[sflag:s20] =	ssyncset.done $0x0  }
.Ltmp6:
0x57: {  	s22 =	sadd.s32 $0x2780, s22;
	[sflag:s20] =	ssyncadd.s32 $0xFFFFC000;
	(pc) =	sbr.rel .LBB2_8-.Ltmp6, $4  }
0x58: {  	[spmem:s2] =	stream.indirect.scatter.add.f32 [tilespmem:s19], [sflag:$0x2], $0x80, s22, s18, $0xb8;
	[tilespmem:$0x1CB00] =	vst v63  }
0x59: {  	_ =	swait.ge [sflag:s14], $0x4000  }
0x5a: {  	[sflag:s14] =	ssyncset.done $0x0  }
0x5b: {  	s22 =	smov.u32 s6;
	[sflag:s14] =	ssyncadd.s32 $0xFFFFC000  }
.LBB2_9:
0x5c: {  	_ =	sfence.sel $0x180000  }
0x5d: {  	[bflag:$0x0] =	sbarrier.arrive $0xFFFF  }
0x5e: {  	p0 =	sne.s32 s1, $0x0;
	_ =	strace $0x9000004D  }
0x5f: {  	s0 =	sadd.s32 @!p0 $0x100000, s0;
	[bflag:$0x2] =	sbarrier.arrive $0xFFFF  }
0x60: {  	[sflag:s0] =	ssyncadd.tile.s32 @!p0 $0x1;
	_ =	shalt  }
.Lfunc_end2:
_tile_overlayer_lowered:
.L_overlay_start_2:
0x61: {  	(tag) =	ssettag $0x2  }
0x62: {  	s0 =	rddreg [dreg:$0x0];
	s2 =	stileid.u32  }
0x63: {  	s1 =	rddreg [dreg:$0x1];
	p0 =	sne.s32 s2, $0x0  }
0x64: {  	s3 =	rddreg [dreg:$0x2];
	[bflag:$0x3] =	sbarrier.arrive $0xFFFF;
	s2 =	simm.s32 @!p0 $0x1C02  }
0x65: {  	[timem:s3], [sflag:s2] =	dma.local @!p0 [hbm:s0], s1  }
0x66: {  	s0 =	simm.s32 @!p0 $0x2  }
0x67: {  	_ =	swait.ge @!p0 [sflag:s0], s1  }
0x68: {  	s1 =	ssub.s32 @!p0 $0x0, s1;
	[sflag:s0] =	ssyncset.done @!p0 $0x0  }
0x69: {  	[sflag:s0] =	ssyncadd.s32 @!p0 s1  }
0x6a: {  	[bflag:$0x3] =	sbarrier.arrive $0xFFFF  }
0x6b: {  	_ =	shalt  }

// kernel: kernel.8.cloned.1.call-start
scs
__scs_entry_jumppad:
0x0: {  	(pc) =	sbr.rel $0x88, $3  }
0x1: {  	(tag) =	ssettag $0x0;
	lr =	simm.s32 $0x1  }
0x2: {  	[smem:$0x3F97] =	sst lr;
	_ =	strace $0xD0000000  }
0x3: {  	_ = 	snop  }
0x4: {  	_ = 	snop  }
0x5: {  	_ = 	snop  }
0x6: {  	_ = 	snop  }
0x7: {  	_ = 	snop  }
__scs_overlays_trampoline_lowered:
0x8: {  	[smem:$0x3FA6] =	sst s0  }
0x9: {  	[smem:$0x3FA7] =	sst s1  }
0xa: {  	[smem:$0x3FA8] =	sst s2  }
0xb: {  	[smem:$0x3FA9] =	sst s3  }
0xc: {  	[smem:$0x3FAA] =	sst s4  }
0xd: {  	[smem:$0x3FAB] =	sst s5  }
0xe: {  	[smem:$0x3FAC] =	sst s6  }
0xf: {  	[smem:$0x3FAD] =	sst s7  }
0x10: {  	[smem:$0x3FAE] =	sst s8  }
0x11: {  	[smem:$0x3FAF] =	sst s9;
	s0 =	simm.s32 @!p0 $0x0  }
0x12: {  	s1 =	sld [smem:$0x3F95];
	s0 =	simm.s32 @p0 $0x1  }
0x13: {  	[smem:$0x3FB0] =	sst s0;
	s0 =	simm.s32 @!p1 $0x0  }
0x14: {  	s2 =	sld [smem:$0x3F94];
	s0 =	simm.s32 @p1 $0x1  }
0x15: {  	[smem:$0x3FB1] =	sst s0;
	s0 =	simm.s32 @!p2 $0x0  }
0x16: {  	s3 =	sld [smem:$0x3FDB];
	s0 =	simm.s32 @p2 $0x1  }
0x17: {  	s4 =	simm.s32 $0x1BF5;
	[smem:$0x3FB3] =	sst s0  }
0x18: {  	s0 =	sld [smem:$0x3F96];
	_ =	swait.ge [sflag:s4], $0x0  }
0x19: {  	s7 =	sld [smem:$0x3F97]  }
0x1a: {  	s8 =	sadd.s32 $0xFFFFE003, lr  }
0x1b: {  	s9 =	sadd.s32 $0xFFFFFEF7, lr;
	s5 =	simm.s32 $0xFFFFFFFF;
	p2 =	slt.u32 s8, $0xFFFFF086  }
0x1c: {  	p1 =	slt.u32 s9, $0xF7A;
	s5 =	simm.s32 @!p2 $0x0  }
0x1d: {  	s5 =	simm.s32 @p1 $0x1;
	p0 =	seq.s32 s7, s2  }
0x1e: {  	s7 =	smul.u32 @!p0 $0xF7A, s2;
	p2 =	seq.s32 @!p0 s5, $0x0  }
0x1f: {  	s9 =	smul.u32 $0xF7A, s1;
	s8 =	simm.s32 @!p0 $0x1BF5;
	p2 =	por !p2, p0  }
0x20: {  	[sflag:s8] =	ssyncset.s32 @!p0 $0xFFFFF086;
	s6 =	sadd.s32 @!p0 s3, s7;
	s7 =	simm.s32 @!p0 $0x108  }
0x21: {  	s3 =	sadd.s32 s3, s9;
	s6 =	sadd.s32 @!p0 $0x88, s6;
	s7 =	simm.s32 @p2 $0x1082  }
0x22: {  	[simem:s7], [sflag:s8] =	dma.local @!p0 [hbm:s6], $0xF7A  }
0x23: {  	s9 =	sor.u32 $0xD0000000, s2;
	s6 =	simm.s32 $0x108;
	_ =	swait.ge @!p0 [sflag:s8], $0x0  }
0x24: {  	s3 =	sadd.s32 $0x88, s3;
	s6 =	simm.s32 @!p1 $0x1082;
	[sflag:s4] =	ssyncset.s32 $0xFFFFF086  }
0x25: {  	[simem:s6], [sflag:s4] =	dma.local [hbm:s3], $0xF7A  }
0x26: {  	[smem:$0x3F97] =	sst s1;
	(tag) =	ssettag s2;
	_ =	strace s9  }
0x27: {  	s1 =	sld [smem:$0x3FA7]  }
0x28: {  	s2 =	sld [smem:$0x3FA8]  }
0x29: {  	s4 =	sld [smem:$0x3FAA]  }
0x2a: {  	p0 =	seq.s32 s5, $0x0;
	s5 =	sld [smem:$0x3FAB]  }
0x2b: {  	s6 =	sld [smem:$0x3FAC]  }
0x2c: {  	s7 =	sld [smem:$0x3FAD]  }
0x2d: {  	s3 =	simm.s32 $0x108;
	s8 =	sld [smem:$0x3FAE]  }
0x2e: {  	s3 =	simm.s32 @!p0 $0x1082;
	s9 =	sld [smem:$0x3FAF]  }
0x2f: {  	lr =	sadd.s32 s0, s3;
	s0 =	sld [smem:$0x3FA6]  }
0x30: {  	s3 =	sld [smem:$0x3FA9]  }
0x31: {  	[smem:$0x3FB2] =	sst s10  }
0x32: {  	s10 =	sld [smem:$0x3FB0];
	_ =	sdelay $0x3  }
0x33: {  	p0 =	seq.s32 s10, $0x1;
	s10 =	sld [smem:$0x3FB2];
	_ =	sdelay $0x3  }
0x34: {  	[smem:$0x3FB2] =	sst s10  }
0x35: {  	s10 =	sld [smem:$0x3FB1];
	_ =	sdelay $0x3  }
0x36: {  	p1 =	seq.s32 s10, $0x1;
	s10 =	sld [smem:$0x3FB2];
	_ =	sdelay $0x3  }
0x37: {  	[smem:$0x3FB2] =	sst s10  }
0x38: {  	s10 =	sld [smem:$0x3FB3]  }
0x39: {  	_ = 	snop;
	(pc) =	sbr.ind lr, $3  }
0x3a: {  	_ = 	snop  }
0x3b: {  	_ = 	snop  }
0x3c: {  	p2 =	seq.s32 s10, $0x1;
	s10 =	sld [smem:$0x3FB2]  }
0x3d: {  	_ =	shalt  }
0x3e: {  	_ =	shalt  }
0x3f: {  	_ =	shalt  }
0x40: {  	_ =	shalt  }
0x41: {  	_ =	shalt  }
0x42: {  	_ =	shalt  }
0x43: {  	_ =	shalt  }
0x44: {  	_ =	shalt  }
0x45: {  	_ =	shalt  }
0x46: {  	_ =	shalt  }
0x47: {  	_ =	shalt  }
0x48: {  	_ =	shalt  }
0x49: {  	_ =	shalt  }
0x4a: {  	_ =	shalt  }
0x4b: {  	_ =	shalt  }
0x4c: {  	_ =	shalt  }
0x4d: {  	_ =	shalt  }
0x4e: {  	_ =	shalt  }
0x4f: {  	_ =	shalt  }
0x50: {  	_ =	shalt  }
0x51: {  	_ =	shalt  }
0x52: {  	_ =	shalt  }
0x53: {  	_ =	shalt  }
0x54: {  	_ =	shalt  }
0x55: {  	_ =	shalt  }
0x56: {  	_ =	shalt  }
0x57: {  	_ =	shalt  }
0x58: {  	_ =	shalt  }
0x59: {  	_ =	shalt  }
0x5a: {  	_ =	shalt  }
0x5b: {  	_ =	shalt  }
0x5c: {  	_ =	shalt  }
0x5d: {  	_ =	shalt  }
0x5e: {  	_ =	shalt  }
0x5f: {  	_ =	shalt  }
0x60: {  	_ =	shalt  }
0x61: {  	_ =	shalt  }
0x62: {  	_ =	shalt  }
0x63: {  	_ =	shalt  }
0x64: {  	_ =	shalt  }
0x65: {  	_ =	shalt  }
0x66: {  	_ =	shalt  }
0x67: {  	_ =	shalt  }
0x68: {  	_ =	shalt  }
0x69: {  	_ =	shalt  }
0x6a: {  	_ =	shalt  }
0x6b: {  	_ =	shalt  }
0x6c: {  	_ =	shalt  }
0x6d: {  	_ =	shalt  }
0x6e: {  	_ =	shalt  }
0x6f: {  	_ =	shalt  }
0x70: {  	_ =	shalt  }
0x71: {  	_ =	shalt  }
0x72: {  	_ =	shalt  }
0x73: {  	_ =	shalt  }
0x74: {  	_ =	shalt  }
0x75: {  	_ =	shalt  }
0x76: {  	_ =	shalt  }
0x77: {  	_ =	shalt  }
0x78: {  	_ =	shalt  }
0x79: {  	_ =	shalt  }
0x7a: {  	_ =	shalt  }
0x7b: {  	_ =	shalt  }
0x7c: {  	_ =	shalt  }
0x7d: {  	_ =	shalt  }
0x7e: {  	_ =	shalt  }
0x7f: {  	_ =	shalt  }
0x80: {  	_ =	shalt  }
0x81: {  	_ =	shalt  }
0x82: {  	_ =	shalt  }
0x83: {  	_ =	shalt  }
0x84: {  	_ =	shalt  }
0x85: {  	_ =	shalt  }
0x86: {  	_ =	shalt  }
0x87: {  	_ =	shalt  }
.Lfunc_end0:
.L_simem_size_0:
called_computation_lowered:
.L_overlay_start_0:
0x88: {  	s2 =	sld [smem:$0x3FD9]  }
0x89: {  	s3 =	sld [smem:$0x3FFE];
	_ =	sdelay $0x1  }
0x8a: {  	s1 =	srdreg.scid  }
0x8b: {  	s0 =	sand.u32 $0x1, s1  }
0x8c: {  	s16 =	sshll.u32 s0, $0xA;
	s2 =	sadd.s32 s3, s2  }
0x8d: {  	s2 =	sadd.s32 s2, s16  }
0x8e: {  	[smem:$0x3FBE] =	sst s2  }
0x8f: {  	_ = 	snop  }
0x90: {  	(tm) =	ssettm $0x1  }
0x91: {  	s17 =	sld [smem:$0x3FFB];
	_ =	sdelay $0x3  }
0x92: {  	_ =	strace s17  }
0x93: {  	s2 =	sld [smem:$0x3FFC];
	_ =	sdelay $0x3  }
0x94: {  	_ =	strace s2  }
0x95: {  	s2 =	sld [smem:$0x3FFD];
	_ =	sdelay $0x3  }
0x96: {  	_ =	strace s2  }
0x97: {  	_ =	strace $0x8FFFFFFF  }
0x98: {  	s18 =	sld [smem:$0x3FDB];
	_ =	sdelay $0x1  }
0x99: {  	s19 =	simm.s32 $_scs_section_size  }
0x9a: {  	s4 =	simm.s32 $_size__tile_overlayer_lowered;
	s5 =	simm.s32 $_tile_overlayer_lowered  }
0x9b: {  	s22 =	simm.s32 $0x1BFF;
	s21 =	sshll.u32 s5, $0x1;
	s2 =	sadd.s32 s19, s18  }
0x9c: {  	s6 =	simm.s32 $0x0;
	s20 =	sshll.u32 s4, $0x1;
	s4 =	sadd.s32 s21, s2  }
0x9d: {  	[timem:s6], [sflag:s22] =	dma.local [hbm:s4], s20  }
0x9e: {  	_ =	swait.ge [sflag:s22], s20  }
0x9f: {  	s3 =	ssub.s32 $0x0, s20;
	[sflag:s22] =	ssyncset.done $0x0  }
0xa0: {  	[sflag:s22] =	ssyncadd.s32 s3;
	_ =	sdelay $0x1  }
0xa1: {  	s23 =	simm.s32 $0x1B8B  }
0xa2: {  	_ =	swait.ge [sflag:s23], $0x1  }
0xa3: {  	[sflag:s23] =	ssyncset.done $0x0  }
0xa4: {  	s25 =	simm.s32 $0x1B8E;
	s24 =	sld [smem:$0x3FFE];
	[sflag:s23] =	ssyncadd.s32 $0xFFFFFFFF  }
0xa5: {  	s26 =	simm.s32 $execute0_lowered;
	[smem:$0x3FD2] =	sst s25  }
0xa6: {  	s4 =	sshll.u32 s26, $0x1;
	_ =	strace $0x80000046;
	[dreg:$0x1] =	wrdreg $0xFFFFFFFF  }
0xa7: {  	s28 =	simm.s32 $_size_execute0_lowered;
	s2 =	sadd.s32 s2, s4;
	[dreg:$0x0] =	wrdreg $0x0  }
0xa8: {  	s4 =	sshll.u32 s28, $0x1;
	[dreg:$0x2] =	wrdreg s2  }
0xa9: {  	[dreg:$0x3] =	wrdreg s4  }
0xaa: {  	[dreg:$0x4] =	wrdreg $0xC0  }
0xab: {  	_ =	task [dreg:s6], $0x5FFFF  }
0xac: {  	[dreg:$0x1] =	wrdreg $0xFFFFFFFF  }
0xad: {  	[dreg:$0x0] =	wrdreg $0x60  }
0xae: {  	[dreg:$0x2] =	wrdreg s24  }
0xaf: {  	[dreg:$0x3] =	wrdreg $0x67800  }
0xb0: {  	[dreg:$0x4] =	wrdreg $0x9  }
0xb1: {  	_ =	task.clear_ibuf [dreg:s6], $0x5FFFF;
	_ =	strace $0x90000046  }
0xb2: {  	s29 =	simm.s32 $0x9;
	_ =	strace $0x80000048  }
0xb3: {  	_ =	swait.ge [sflag:s29], $0x1  }
0xb4: {  	[sflag:s29] =	ssyncadd.s32 $0xFFFFFFFF  }
0xb5: {  	_ =	strace $0x90000048  }
0xb6: {  	_ =	sfence  }
0xb7: {  	s30 =	sld [smem:$0x0];
	_ =	sdelay $0x2  }
0xb8: {  	s31 =	sshll.u32 s1, $0xD;
	s1 =	sshrl.u32 s1, $0x2  }
0xb9: {  	s3 =	sand.u32 $0x4000, s31;
	s1 =	sadd.s32 s1, s30  }
0xba: {  	s0 =	sor.u32 s3, s0;
	s1 =	sshll.u32 s1, $0x11  }
0xbb: {  	s0 =	sor.u32 s1, s0  }
0xbc: {  	s0 =	sadd.s32 $0x8F2B, s0  }
0xbd: {  	[sflag:s0] =	ssyncadd.remote.s32 $0x1  }
0xbe: {  	_ =	sfence.sel $0xFFFF  }
0xbf: {  	[dreg:$0x0] =	wrdreg $0xFFFFFFFF;
	(pc) =	sbr.abs _section_cstart, $3  }
0xc0: {  	[dreg:$0x1] =	wrdreg $0xFFFFFFFF  }
0xc1: {  	_ =	task.clear_ibuf [dreg:s6], $0x2FFFF;
	_ =	strace $0x9FFFFFFF  }
0xc2: {  	(tm) =	ssettm $0x7FFFFFFF  }
0xc3: {  	_ =	shalt  }
tec
execute0_lowered:
.L_overlay_start_1:
0x0: {  	(tag) =	ssettag $0x1  }
0x1: {  	s5 =	rddreg [dreg:$0x0]  }
0x2: {  	s2 =	rddreg [dreg:$0x1]  }
0x3: {  	s0 =	rddreg [dreg:$0x2];
	s1 =	stileid.u32  }
0x4: {  	s3 =	simm.s32 $0x0;
	s6 =	srdreg.scid;
	s4 =	smul.u32 $0x4F0, s1  }
0x5: {  	[smem:$0x7FF] =	sst s3;
	s13 =	smul.u32 $0x2780, s1;
	s6 =	sand.u32 $0x1, s6  }
0x6: {  	s10 =	smul.u32 $0x4F000, s1;
	s31 =	sshll.u32 s1, $0x6;
	_ =	strace $0x80000047  }
0x7: {  	s8 =	smul.u32 $0x27800, s6;
	s6 =	ssub.s32 $0x2, s6;
	s7 =	sadd.s32 s4, s5  }
0x8: {  	s9 =	sadd.s32 s13, s5;
	s4 =	sadd.s32 $0x30200, s5;
	s29 =	sshrl.u32 s6, $0x1  }
0x9: {  	s30 =	sshrl.u32 s10, $0x2;
	s10 =	sor.u32 $0x1C01, s31;
	s8 =	sadd.s32 s8, s5  }
0xa: {  	s11 =	ssub.s32 s6, s29;
	s5 =	sadd.s32 $0x3A00, s7;
	s12 =	sadd.s32 s30, s2  }
0xb: {  	s6 =	sadd.s32 $0x8A00, s9;
	s9 =	simm.s32 $0x2780;
	s14 =	sadd.s32 $0x30A00, s8  }
0xc: {  	s7 =	smax.u32 s11, $0x1;
	s8 =	simm.s32 $0x1;
	s11 =	sshrl.u32 s12, $0x3  }
0xd: {  	s12 =	simm.s32 $0x80;
	s13 =	sadd.s32 s13, s14;
	s14 =	simm.s32 $0x0  }
.LBB2_1:
0xe: {  	[tilespmem:s3], [sflag:$0x1] =	stream.linear.gather [hbm4b:s5+s3], $0x2780, $0x38;
	[tilespmem:$0x1A380] =	vst v63  }
0xf: {  	_ =	swait.ge [sflag:s8], $0x2780  }
0x10: {  	[sflag:s8] =	ssyncset.done $0x0  }
0x11: {  	[sflag:s8] =	ssyncadd.s32 $0xFFFFD880  }
0x12: {  	[tilespmem:s9], [sflag:$0x1] =	stream.linear.gather [hbm4b:s4+s3], $0x4000, $0x38;
	[tilespmem:$0x1A380] =	vst v63  }
0x13: {  	_ =	swait.ge [sflag:s8], $0x4000  }
0x14: {  	[sflag:s8] =	ssyncset.done $0x0  }
0x15: {  	[sflag:s8] =	ssyncadd.s32 $0xFFFFC000  }
0x16: {  	[spmem:s11], [sflag:s10] =	dma.local [hbm:s6], $0x2780  }
0x17: {  	_ =	swait.ge [sflag:s8], $0x2780  }
0x18: {  	[sflag:s8] =	ssyncset.done $0x0  }
0x19: {  	[sflag:s8] =	ssyncadd.s32 $0xFFFFD880  }
0x1a: {  	s15 =	simm.s32 $0x0;
	[bflag:$0x0] =	sbarrier.arrive $0xFFFF  }
0x1b: {  	[spmem:s2] =	stream.indirect.scatter.add.f32 [tilespmem:s9], [sflag:$0x1], $0x80, s15, s12, $0xb8;
	[tilespmem:$0x1A380] =	vst v63  }
0x1c: {  	_ =	swait.ge [sflag:s8], $0x4000  }
0x1d: {  	s15 =	simm.s32 $0x200;
	[sflag:s8] =	ssyncset.done $0x0  }
.LBB2_2:
0x1e: {  	s16 =	sshra.s32 s15, $0x2;
	[sflag:s8] =	ssyncadd.s32 $0xFFFFC000;
	p0 =	sne.s32 s15, $0x9C00  }
0x1f: {  	[spmem:s2] =	stream.indirect.scatter.add.f32 [tilespmem:s9], [sflag:$0x1], $0x80, s16, s12, $0xb8;
	[tilespmem:$0x1A380] =	vst v63  }
.Ltmp0:
0x20: {  	_ = 	snop;
	(pc) =	sbr.rel @p0 .LBB2_2-.Ltmp0, $4  }
0x21: {  	_ = 	snop  }
0x22: {  	s15 =	sadd.s32 $0x200, s15  }
0x23: {  	_ =	swait.ge [sflag:s8], $0x4000  }
0x24: {  	[sflag:s8] =	ssyncset.done $0x0  }
0x25: {  	s14 =	sadd.s32 $0x1, s14  }
0x26: {  	[sflag:s8] =	ssyncadd.s32 $0xFFFFC000;
	p0 =	sne.s32 s14, s7  }
.Ltmp1:
0x27: {  	[bflag:$0x0] =	sbarrier.arrive $0xFFFF;
	(pc) =	sbr.rel @p0 .LBB2_1-.Ltmp1, $4  }
0x28: {  	[hbm:s13], [sflag:s10] =	dma.local [spmem:s11], $0x2780  }
0x29: {  	_ =	swait.ge [sflag:s8], $0x2780  }
0x2a: {  	[sflag:s8] =	ssyncset.done $0x0  }
0x2b: {  	[sflag:s8] =	ssyncadd.s32 $0xFFFFD880  }
0x2c: {  	_ =	sfence.sel $0x180000  }
0x2d: {  	[bflag:$0x0] =	sbarrier.arrive $0xFFFF  }
0x2e: {  	p0 =	sne.s32 s1, $0x0;
	_ =	strace $0x90000047  }
0x2f: {  	s0 =	sadd.s32 @!p0 $0x100000, s0;
	[bflag:$0x2] =	sbarrier.arrive $0xFFFF  }
0x30: {  	[sflag:s0] =	ssyncadd.tile.s32 @!p0 $0x1;
	_ =	shalt  }
.Lfunc_end2:
_tile_overlayer_lowered:
.L_overlay_start_2:
0x31: {  	(tag) =	ssettag $0x2  }
0x32: {  	s0 =	rddreg [dreg:$0x0];
	s2 =	stileid.u32  }
0x33: {  	s1 =	rddreg [dreg:$0x1];
	p0 =	sne.s32 s2, $0x0  }
0x34: {  	s3 =	rddreg [dreg:$0x2];
	[bflag:$0x3] =	sbarrier.arrive $0xFFFF;
	s2 =	simm.s32 @!p0 $0x1C01  }
0x35: {  	[timem:s3], [sflag:s2] =	dma.local @!p0 [hbm:s0], s1  }
0x36: {  	s0 =	simm.s32 @!p0 $0x1  }
0x37: {  	_ =	swait.ge @!p0 [sflag:s0], s1  }
0x38: {  	s1 =	ssub.s32 @!p0 $0x0, s1;
	[sflag:s0] =	ssyncset.done @!p0 $0x0  }
0x39: {  	[sflag:s0] =	ssyncadd.s32 @!p0 s1  }
0x3a: {  	[bflag:$0x3] =	sbarrier.arrive $0xFFFF  }
0x3b: {  	_ =	shalt  }

</sc_bundles>
